<compile_context>
chip_gen: v7x
topology: tpu7x:2x2x1
jax: 0.10.2.dev20260603
libtpu: 0.0.44.dev20260713+nightly
codegen_flags: <defaults>
</compile_context>

<pallas_src>
import functools
import math

import jax
import jax.numpy as jnp
from jax import lax
from jax.experimental import pallas as pl
from jax.experimental.pallas import tpu as pltpu
from jax.experimental.pallas import tpu_sc as plsc

NUM_EXPERTS = 64
TOKEN_BLOCK = 1024
KEY_BIAS = 0x3C000000
AUX_W = 0.01
Z_W = 0.001


def _stage1_body(x_ref, w_ref, s_ref, e_ref, k_ref, psum_ref, zsum_ref):
    i = pl.program_id(0)
    logits = lax.dot_general(
        x_ref[...], w_ref[...], (((1,), (1,)), ((), ())),
        preferred_element_type=jnp.float32)
    m = jnp.max(logits, axis=1, keepdims=True)
    ex = jnp.exp(logits - m)
    ssum = jnp.sum(ex, axis=1, keepdims=True)
    p = ex / ssum
    ei = jnp.argmax(p, axis=1).astype(jnp.int32)
    pm = jnp.max(p, axis=1)
    bits = lax.bitcast_convert_type(pm, jnp.int32)
    key = jnp.maximum(bits - KEY_BIAS, 1)
    onehot = ei[:, None] == lax.broadcasted_iota(jnp.int32, (1, NUM_EXPERTS), 1)
    s_ref[...] = jnp.where(onehot, key[:, None], 0)
    e_ref[0, 0, :] = ei
    k_ref[0, 0, :] = key

    @pl.when(i == 0)
    def _():
        psum_ref[...] = jnp.zeros_like(psum_ref)
        zsum_ref[...] = jnp.zeros_like(zsum_ref)

    psum_ref[...] += jnp.sum(p, axis=0)[None, :]
    lse = m[:, 0] + jnp.log(ssum[:, 0])
    zsum_ref[...] += jnp.sum(lse * lse).reshape(1, 1)


def _sc_count_ge(list_ref, nchunks, u):
    def chunk(j, cnt):
        v = list_ref[pl.ds(j * 16, 16)]
        return cnt + plsc.all_reduce_population_count(v >= u)[0]
    return lax.fori_loop(0, nchunks, chunk, jnp.int32(0))


def _sc_search2(ref_a, n_a, ref_b, n_b, cap):
    nch_a = (n_a + 15) // 16
    nch_b = (n_b + 15) // 16
    def count(u):
        return _sc_count_ge(ref_a, nch_a, u) + _sc_count_ge(ref_b, nch_b, u)
    def bit(i, t):
        cand = t | (jnp.int32(1) << (25 - i))
        return jnp.where(count(cand) >= cap, cand, t)
    t = lax.fori_loop(0, 26, bit, jnp.int32(0))
    c_ge = count(t)
    c_gt = count(t + 1)
    rem = jnp.where(t > 0, cap - c_gt, 0)
    kept = jnp.minimum(n_a + n_b, cap)
    simple = jnp.where(t > 0, (c_ge == cap).astype(jnp.int32), 1)
    tprime = jnp.maximum(t, 1)
    return tprime, t, rem, kept, simple


def _stage2_sc_body(capacity, ntok, e_hbm, k_hbm, out_hbm,
                    e_v, k_v, l0a_v, l0b_v, l1a_v, l1b_v, outbuf_v):
    cap = jnp.int32(capacity)
    half = ntok // 2
    wid = lax.axis_index("c") * 16 + lax.axis_index("s")
    ex0 = (wid * 2).astype(jnp.int32)
    ex1 = ex0 + 1
    pltpu.sync_copy(e_hbm, e_v)
    pltpu.sync_copy(k_hbm, k_v)

    def compact(j, carry):
        ca0, ca1, cb0, cb1 = carry
        vea = e_v[pl.ds(j * 16, 16)]
        vka = k_v[pl.ds(j * 16, 16)]
        veb = e_v[pl.ds(half + j * 16, 16)]
        vkb = k_v[pl.ds(half + j * 16, 16)]
        ma0 = vea == ex0
        ma1 = vea == ex1
        mb0 = veb == ex0
        mb1 = veb == ex1
        plsc.store_compressed(l0a_v.at[pl.ds(ca0, 16)], vka, mask=ma0)
        plsc.store_compressed(l1a_v.at[pl.ds(ca1, 16)], vka, mask=ma1)
        plsc.store_compressed(l0b_v.at[pl.ds(cb0, 16)], vkb, mask=mb0)
        plsc.store_compressed(l1b_v.at[pl.ds(cb1, 16)], vkb, mask=mb1)
        ca0 = ca0 + plsc.all_reduce_population_count(ma0)[0]
        ca1 = ca1 + plsc.all_reduce_population_count(ma1)[0]
        cb0 = cb0 + plsc.all_reduce_population_count(mb0)[0]
        cb1 = cb1 + plsc.all_reduce_population_count(mb1)[0]
        return ca0, ca1, cb0, cb1

    z = jnp.int32(0)
    na0, na1, nb0, nb1 = lax.fori_loop(0, half // 16, compact, (z, z, z, z))
    zeros = jnp.zeros((16,), jnp.int32)
    l0a_v[pl.ds(na0, 16)] = zeros
    l1a_v[pl.ds(na1, 16)] = zeros
    l0b_v[pl.ds(nb0, 16)] = zeros
    l1b_v[pl.ds(nb1, 16)] = zeros
    tp0, t0, rem0, kept0, sim0 = _sc_search2(l0a_v, na0, l0b_v, nb0, cap)
    tp1, t1, rem1, kept1, sim1 = _sc_search2(l1a_v, na1, l1b_v, nb1, cap)

    lane = lax.iota(jnp.int32, 16)
    outv = jnp.where(lane == 0, tp0,
           jnp.where(lane == 1, tp1,
           jnp.where(lane == 2, t0,
           jnp.where(lane == 3, t1,
           jnp.where(lane == 4, rem0,
           jnp.where(lane == 5, rem1,
           jnp.where(lane == 6, kept0,
           jnp.where(lane == 7, kept1,
           jnp.where(lane == 8, sim0,
           jnp.where(lane == 9, sim1, 0))))))))))
    outbuf_v[...] = outv
    pltpu.sync_copy(outbuf_v, out_hbm.at[wid])


def _stage3_body(total_tokens, s_ref, tp_ref, t_ref, rem_ref,
                 kept_ref, sim_ref, psum_ref, zsum_ref,
                 mask_ref, loss_ref, carry_ref):
    i = pl.program_id(0)

    @pl.when(i == 0)
    def _():
        carry_ref[...] = jnp.zeros_like(carry_ref)

    S = s_ref[...]
    all_simple = jnp.min(sim_ref[...]) == 1

    @pl.when(all_simple)
    def _():
        mask_ref[...] = (S >= tp_ref[...]).astype(jnp.float32)

    @pl.when(jnp.logical_not(all_simple))
    def _():
        t = t_ref[...]
        gt = S > t
        eq = (S == t) & (t > 0)
        eqf = eq.astype(jnp.float32)
        row = lax.broadcasted_iota(jnp.int32, (TOKEN_BLOCK, TOKEN_BLOCK), 0)
        col = lax.broadcasted_iota(jnp.int32, (TOKEN_BLOCK, TOKEN_BLOCK), 1)
        tril = (row > col).astype(jnp.float32)
        excl = lax.dot_general(tril, eqf, (((1,), (0,)), ((), ())),
                               preferred_element_type=jnp.float32)
        rank = carry_ref[...] + excl
        keep_eq = eq & (rank < rem_ref[...].astype(jnp.float32))
        mask_ref[...] = (gt | keep_eq).astype(jnp.float32)
        carry_ref[...] += jnp.sum(eqf, axis=0)[None, :]

    @pl.when(i == pl.num_programs(0) - 1)
    def _():
        n = jnp.float32(total_tokens)
        f = kept_ref[...].astype(jnp.float32) / n
        pmean = psum_ref[...] / n
        aux = AUX_W * jnp.sum(f * pmean) * NUM_EXPERTS
        z = Z_W * zsum_ref[...] / n
        loss_ref[...] = aux + z


def kernel(x, W):
    Bb, Tt, C = x.shape
    E = W.shape[0]
    n = Bb * Tt
    capacity = math.ceil(n / E)
    xr = x.reshape(n, C)
    nblk = n // TOKEN_BLOCK

    S, e_row, k_row, psum, zsum = pl.pallas_call(
        _stage1_body,
        grid=(nblk,),
        compiler_params=pltpu.CompilerParams(vmem_limit_bytes=64 * 1024 * 1024),
        in_specs=[
            pl.BlockSpec((TOKEN_BLOCK, C), lambda i: (i, 0)),
            pl.BlockSpec((E, C), lambda i: (0, 0)),
        ],
        out_specs=[
            pl.BlockSpec((TOKEN_BLOCK, E), lambda i: (i, 0)),
            pl.BlockSpec((1, 1, TOKEN_BLOCK), lambda i: (i, 0, 0)),
            pl.BlockSpec((1, 1, TOKEN_BLOCK), lambda i: (i, 0, 0)),
            pl.BlockSpec((1, E), lambda i: (0, 0)),
            pl.BlockSpec((1, 1), lambda i: (0, 0)),
        ],
        out_shape=[
            jax.ShapeDtypeStruct((n, E), jnp.int32),
            jax.ShapeDtypeStruct((nblk, 1, TOKEN_BLOCK), jnp.int32),
            jax.ShapeDtypeStruct((nblk, 1, TOKEN_BLOCK), jnp.int32),
            jax.ShapeDtypeStruct((1, E), jnp.float32),
            jax.ShapeDtypeStruct((1, 1), jnp.float32),
        ],
    )(xr, W)

    sc_out = pl.kernel(
        functools.partial(_stage2_sc_body, capacity, n),
        out_type=jax.ShapeDtypeStruct((32, 16), jnp.int32),
        mesh=plsc.VectorSubcoreMesh(core_axis_name="c", subcore_axis_name="s"),
        compiler_params=pltpu.CompilerParams(needs_layout_passes=False),
        scratch_types=[
            pltpu.VMEM((n,), jnp.int32),
            pltpu.VMEM((n,), jnp.int32),
            pltpu.VMEM((n // 2 + 16,), jnp.int32),
            pltpu.VMEM((n // 2 + 16,), jnp.int32),
            pltpu.VMEM((n // 2 + 16,), jnp.int32),
            pltpu.VMEM((n // 2 + 16,), jnp.int32),
            pltpu.VMEM((16,), jnp.int32),
        ],
    )(e_row.reshape(n), k_row.reshape(n))
    tprime = sc_out[:, 0:2].reshape(1, E)
    t = sc_out[:, 2:4].reshape(1, E)
    rem = sc_out[:, 4:6].reshape(1, E)
    kept = sc_out[:, 6:8].reshape(1, E)
    simple = sc_out[:, 8:10].reshape(1, E)

    mask, loss = pl.pallas_call(
        functools.partial(_stage3_body, n),
        grid=(nblk,),
        in_specs=[
            pl.BlockSpec((TOKEN_BLOCK, E), lambda i: (i, 0)),
            pl.BlockSpec((1, E), lambda i: (0, 0)),
            pl.BlockSpec((1, E), lambda i: (0, 0)),
            pl.BlockSpec((1, E), lambda i: (0, 0)),
            pl.BlockSpec((1, E), lambda i: (0, 0)),
            pl.BlockSpec((1, E), lambda i: (0, 0)),
            pl.BlockSpec((1, E), lambda i: (0, 0)),
            pl.BlockSpec((1, 1), lambda i: (0, 0)),
        ],
        out_specs=[
            pl.BlockSpec((TOKEN_BLOCK, E), lambda i: (i, 0)),
            pl.BlockSpec((1, 1), lambda i: (0, 0)),
        ],
        out_shape=[
            jax.ShapeDtypeStruct((n, E), jnp.float32),
            jax.ShapeDtypeStruct((1, 1), jnp.float32),
        ],
        scratch_shapes=[pltpu.VMEM((1, E), jnp.float32)],
    )(S, tprime, t, rem, kept, simple, psum, zsum)

    mask = mask.reshape(Bb, Tt, E)
    return mask, mask, loss.reshape(())

# --- scband reference (transcript-rebuilt; emitter-appended) ---
"""Pipeline reference for scband-switch-router-7713761264023 (READ-ONLY COPY).

The authoritative reference and input builder live on the scoring server;
editing this copy changes nothing except your own understanding.
"""

import jax, jax.numpy as jnp
import numpy as np
import math

B, T = 4, 4096
N_EMBD = 4096
NUM_EXPERTS = 64
CAPACITY_FACTOR = 1.0
AUX_W = 0.01
Z_W = 0.001


def setup_inputs(seed: int = 0) -> dict:
    key = jax.random.key(seed)
    k1, k2 = jax.random.split(key)
    x = jax.random.normal(k1, (B, T, N_EMBD), dtype=jnp.float32)
    # router linear weight, torch nn.Linear layout [out_features, in_features], std=0.02
    W = jax.random.normal(k2, (NUM_EXPERTS, N_EMBD), dtype=jnp.float32) * 0.02
    return {"x": x, "W": W}


def reference(x, W):
    Bb, Tt, C = x.shape
    E = W.shape[0]
    batch_tokens = Bb * Tt
    router_logits = x @ W.T                       # [B, T, E]
    router_probs = jax.nn.softmax(router_logits, axis=-1)
    expert_indices = jnp.argmax(router_probs, axis=-1)  # [B, T]
    capacity = math.ceil(batch_tokens * CAPACITY_FACTOR / E)
    cols = []
    for e in range(E):
        assign = expert_indices == e
        scores = jnp.where(assign, router_probs[:, :, e], -jnp.inf).reshape(-1)
        vals, idx = jax.lax.top_k(scores, capacity)
        # entries that are -inf were not actually assigned (num_assigned < capacity)
        sel = jnp.where(jnp.isfinite(vals), 1.0, 0.0).astype(jnp.float32)
        flat = jnp.zeros((batch_tokens,), dtype=jnp.float32).at[idx].set(sel)
        cols.append(flat.reshape(Bb, Tt))
    dispatch_mask = jnp.stack(cols, axis=-1)      # [B, T, E]
    gates = dispatch_mask
    # aux loss (Switch load balancing)
    f = jnp.mean(dispatch_mask, axis=(0, 1))
    P = jnp.mean(router_probs.astype(jnp.float32), axis=(0, 1))
    aux_loss = AUX_W * jnp.sum(f * P) * E
    # z loss
    z_loss = Z_W * jnp.mean(jax.scipy.special.logsumexp(router_logits, axis=-1) ** 2)
    return gates, dispatch_mask, aux_loss + z_loss

if __name__ == "__main__":
    import jax
    _d = setup_inputs()
    print(jax.jit(kernel)(*tuple(_d.values())))

</pallas_src>

<mosaic_0001>
#map = affine_map<(d0, d1) -> (0)>
#map1 = affine_map<(d0, d1) -> (0, 0)>
module attributes {stable_mosaic.version = 14 : i64} {
  func.func @_stage2_sc_body(%arg0: i32, %arg1: i32, %arg2: memref<16384xi32, #tpu.memory_space<hbm>>, %arg3: memref<16384xi32, #tpu.memory_space<hbm>>, %arg4: memref<32x16xi32, #tpu.memory_space<hbm>>, %arg5: memref<16384xi32, #tpu.memory_space<vmem>>, %arg6: memref<16384xi32, #tpu.memory_space<vmem>>, %arg7: memref<8208xi32, #tpu.memory_space<vmem>>, %arg8: memref<8208xi32, #tpu.memory_space<vmem>>, %arg9: memref<8208xi32, #tpu.memory_space<vmem>>, %arg10: memref<8208xi32, #tpu.memory_space<vmem>>, %arg11: memref<16xi32, #tpu.memory_space<vmem>>) attributes {dimension_semantics = [#tpu.dimension_semantics<core_parallel>, #tpu.dimension_semantics<subcore_parallel>], iteration_bounds = array<i64: 2, 16>, scalar_prefetch = 0 : i64, scratch_operands = 7 : i64, tpu.core_type = #tpu.core_type<sc_vector_subcore>, window_params = [{transform_indices = #map}, {transform_indices = #map}, {transform_indices = #map1}]} {
    %mul3A = arith.constant 16 : i32
    %mul3A_0 = arith.muli %arg0, %mul3A : i32
    %add3A = arith.addi %mul3A_0, %arg1 : i32
    %mul3A_1 = arith.constant 2 : i32
    %mul3A_2 = arith.muli %add3A, %mul3A_1 : i32
    %add3A_3 = arith.constant 1 : i32
    %add3A_4 = arith.addi %mul3A_2, %add3A_3 : i32
    "tpu.region"() ({
      %run_scoped3A = tpu.sem_alloc : memref<!tpu.dma_semaphore, #tpu.memory_space<semaphore_mem>>
      tpu.enqueue_dma source(%arg2 : memref<16384xi32, #tpu.memory_space<hbm>>) target(%arg5 : memref<16384xi32, #tpu.memory_space<vmem>>) target_semaphore(%run_scoped3A : memref<!tpu.dma_semaphore, #tpu.memory_space<semaphore_mem>>)
      tpu.wait_dma2 semaphore(%run_scoped3A : memref<!tpu.dma_semaphore, #tpu.memory_space<semaphore_mem>>) src(%arg2 : memref<16384xi32, #tpu.memory_space<hbm>>) dst(%arg5 : memref<16384xi32, #tpu.memory_space<vmem>>)
      tpu.yield
    }) : () -> ()
    "tpu.region"() ({
      %run_scoped3A = tpu.sem_alloc : memref<!tpu.dma_semaphore, #tpu.memory_space<semaphore_mem>>
      tpu.enqueue_dma source(%arg3 : memref<16384xi32, #tpu.memory_space<hbm>>) target(%arg6 : memref<16384xi32, #tpu.memory_space<vmem>>) target_semaphore(%run_scoped3A : memref<!tpu.dma_semaphore, #tpu.memory_space<semaphore_mem>>)
      tpu.wait_dma2 semaphore(%run_scoped3A : memref<!tpu.dma_semaphore, #tpu.memory_space<semaphore_mem>>) src(%arg3 : memref<16384xi32, #tpu.memory_space<hbm>>) dst(%arg6 : memref<16384xi32, #tpu.memory_space<vmem>>)
      tpu.yield
    }) : () -> ()
    %scan3A = arith.constant 0 : i32
    %scan3A_5 = arith.constant 0 : i32
    %scan3A_6 = arith.constant 0 : i32
    %scan3A_7 = arith.constant 0 : i32
    %scan3A_8 = arith.constant 0 : i32
    %scan3A_9 = arith.constant 512 : i32
    %scan3A_10 = arith.addi %scan3A_8, %scan3A_9 : i32
    %scan3A_11 = arith.constant 1 : i32
    %scan3A_12:4 = scf.for %scan3A_322 = %scan3A_8 to %scan3A_10 step %scan3A_11 iter_args(%scan3A_323 = %scan3A, %scan3A_324 = %scan3A_5, %scan3A_325 = %scan3A_6, %scan3A_326 = %scan3A_7) -> (i32, i32, i32, i32)  : i32 {
      %mul3A_327 = arith.constant 16 : i32
      %mul3A_328 = arith.muli %scan3A_322, %mul3A_327 : i32
      %get3A = arith.index_cast %mul3A_328 : i32 to index
      %get3A_329 = tpu.vector_load %arg5[%get3A] {strides = array<i32>} : memref<16384xi32, #tpu.memory_space<vmem>>, vector<16xi32>,
      %mul3A_330 = arith.constant 16 : i32
      %mul3A_331 = arith.muli %scan3A_322, %mul3A_330 : i32
      %get3A_332 = arith.index_cast %mul3A_331 : i32 to index
      %get3A_333 = tpu.vector_load %arg6[%get3A_332] {strides = array<i32>} : memref<16384xi32, #tpu.memory_space<vmem>>, vector<16xi32>,
      %mul3A_334 = arith.constant 16 : i32
      %mul3A_335 = arith.muli %scan3A_322, %mul3A_334 : i32
      %add3A_336 = arith.constant 8192 : i32
      %add3A_337 = arith.addi %add3A_336, %mul3A_335 : i32
      %get3A_338 = arith.index_cast %add3A_337 : i32 to index
      %get3A_339 = tpu.vector_load %arg5[%get3A_338] {strides = array<i32>} : memref<16384xi32, #tpu.memory_space<vmem>>, vector<16xi32>,
      %mul3A_340 = arith.constant 16 : i32
      %mul3A_341 = arith.muli %scan3A_322, %mul3A_340 : i32
      %add3A_342 = arith.constant 8192 : i32
      %add3A_343 = arith.addi %add3A_342, %mul3A_341 : i32
      %get3A_344 = arith.index_cast %add3A_343 : i32 to index
      %get3A_345 = tpu.vector_load %arg6[%get3A_344] {strides = array<i32>} : memref<16384xi32, #tpu.memory_space<vmem>>, vector<16xi32>,
      %eq3A_346 = vector.broadcast %mul3A_2 : i32 to vector<16xi32>
      %eq3A_347 = arith.cmpi eq, %get3A_329, %eq3A_346 : vector<16xi32>
      %eq3A_348 = vector.broadcast %add3A_4 : i32 to vector<16xi32>
      %eq3A_349 = arith.cmpi eq, %get3A_329, %eq3A_348 : vector<16xi32>
      %eq3A_350 = vector.broadcast %mul3A_2 : i32 to vector<16xi32>
      %eq3A_351 = arith.cmpi eq, %get3A_339, %eq3A_350 : vector<16xi32>
      %eq3A_352 = vector.broadcast %add3A_4 : i32 to vector<16xi32>
      %eq3A_353 = arith.cmpi eq, %get3A_339, %eq3A_352 : vector<16xi32>
      %swap3A_354 = arith.index_cast %scan3A_323 : i32 to index
      %swap3A_355 = tpu.vector_load %arg7[%swap3A_354] masked %eq3A_347 {strides = array<i32>} : memref<8208xi32, #tpu.memory_space<vmem>>, vector<16xi32>, vector<16xi1>
      tpu.vector_store %arg7[%swap3A_354], %get3A_333 masked %eq3A_347 {strides = array<i32>} : memref<8208xi32, #tpu.memory_space<vmem>>, vector<16xi32>, vector<16xi1>
      %swap3A_356 = arith.index_cast %scan3A_324 : i32 to index
      %swap3A_357 = tpu.vector_load %arg9[%swap3A_356] masked %eq3A_349 {strides = array<i32>} : memref<8208xi32, #tpu.memory_space<vmem>>, vector<16xi32>, vector<16xi1>
      tpu.vector_store %arg9[%swap3A_356], %get3A_333 masked %eq3A_349 {strides = array<i32>} : memref<8208xi32, #tpu.memory_space<vmem>>, vector<16xi32>, vector<16xi1>
      %swap3A_358 = arith.index_cast %scan3A_325 : i32 to index
      %swap3A_359 = tpu.vector_load %arg8[%swap3A_358] masked %eq3A_351 {strides = array<i32>} : memref<8208xi32, #tpu.memory_space<vmem>>, vector<16xi32>, vector<16xi1>
      tpu.vector_store %arg8[%swap3A_358], %get3A_345 masked %eq3A_351 {strides = array<i32>} : memref<8208xi32, #tpu.memory_space<vmem>>, vector<16xi32>, vector<16xi1>
      %swap3A_360 = arith.index_cast %scan3A_326 : i32 to index
      %swap3A_361 = tpu.vector_load %arg10[%swap3A_360] masked %eq3A_353 {strides = array<i32>} : memref<8208xi32, #tpu.memory_space<vmem>>, vector<16xi32>, vector<16xi1>
      tpu.vector_store %arg10[%swap3A_360], %get3A_345 masked %eq3A_353 {strides = array<i32>} : memref<8208xi32, #tpu.memory_space<vmem>>, vector<16xi32>, vector<16xi1>
      %all_reduce_population_count3A = tpu.all_reduce %eq3A_347 {dim = 0 : i64, kind = #tpu.reduction_kind<sum>} : vector<16xi1> -> vector<16xi32>
      %slice3A = vector.extract_strided_slice %all_reduce_population_count3A {offsets = [0], sizes = [1], strides = [1]} : vector<16xi32> to vector<1xi32>
      %squeeze3A = vector.extract %slice3A[0] : i32 from vector<1xi32>
      %add3A_362 = arith.addi %scan3A_323, %squeeze3A : i32
      %all_reduce_population_count3A_363 = tpu.all_reduce %eq3A_349 {dim = 0 : i64, kind = #tpu.reduction_kind<sum>} : vector<16xi1> -> vector<16xi32>
      %slice3A_364 = vector.extract_strided_slice %all_reduce_population_count3A_363 {offsets = [0], sizes = [1], strides = [1]} : vector<16xi32> to vector<1xi32>
      %squeeze3A_365 = vector.extract %slice3A_364[0] : i32 from vector<1xi32>
      %add3A_366 = arith.addi %scan3A_324, %squeeze3A_365 : i32
      %all_reduce_population_count3A_367 = tpu.all_reduce %eq3A_351 {dim = 0 : i64, kind = #tpu.reduction_kind<sum>} : vector<16xi1> -> vector<16xi32>
      %slice3A_368 = vector.extract_strided_slice %all_reduce_population_count3A_367 {offsets = [0], sizes = [1], strides = [1]} : vector<16xi32> to vector<1xi32>
      %squeeze3A_369 = vector.extract %slice3A_368[0] : i32 from vector<1xi32>
      %add3A_370 = arith.addi %scan3A_325, %squeeze3A_369 : i32
      %all_reduce_population_count3A_371 = tpu.all_reduce %eq3A_353 {dim = 0 : i64, kind = #tpu.reduction_kind<sum>} : vector<16xi1> -> vector<16xi32>
      %slice3A_372 = vector.extract_strided_slice %all_reduce_population_count3A_371 {offsets = [0], sizes = [1], strides = [1]} : vector<16xi32> to vector<1xi32>
      %squeeze3A_373 = vector.extract %slice3A_372[0] : i32 from vector<1xi32>
      %add3A_374 = arith.addi %scan3A_326, %squeeze3A_373 : i32
      scf.yield %add3A_362, %add3A_366, %add3A_370, %add3A_374 : i32, i32, i32, i32
    }
    %scan3A_13 = arith.constant 512 : i32
    %broadcast_in_dim3A = arith.constant 0 : i32
    %broadcast_in_dim3A_14 = vector.broadcast %broadcast_in_dim3A : i32 to vector<16xi32>
    %swap3A = arith.index_cast %scan3A_12#0 : i32 to index
    %swap3A_15 = tpu.vector_load %arg7[%swap3A] {strides = array<i32>} : memref<8208xi32, #tpu.memory_space<vmem>>, vector<16xi32>,
    tpu.vector_store %arg7[%swap3A], %broadcast_in_dim3A_14 {strides = array<i32>} : memref<8208xi32, #tpu.memory_space<vmem>>, vector<16xi32>,
    %swap3A_16 = arith.index_cast %scan3A_12#1 : i32 to index
    %swap3A_17 = tpu.vector_load %arg9[%swap3A_16] {strides = array<i32>} : memref<8208xi32, #tpu.memory_space<vmem>>, vector<16xi32>,
    tpu.vector_store %arg9[%swap3A_16], %broadcast_in_dim3A_14 {strides = array<i32>} : memref<8208xi32, #tpu.memory_space<vmem>>, vector<16xi32>,
    %swap3A_18 = arith.index_cast %scan3A_12#2 : i32 to index
    %swap3A_19 = tpu.vector_load %arg8[%swap3A_18] {strides = array<i32>} : memref<8208xi32, #tpu.memory_space<vmem>>, vector<16xi32>,
    tpu.vector_store %arg8[%swap3A_18], %broadcast_in_dim3A_14 {strides = array<i32>} : memref<8208xi32, #tpu.memory_space<vmem>>, vector<16xi32>,
    %swap3A_20 = arith.index_cast %scan3A_12#3 : i32 to index
    %swap3A_21 = tpu.vector_load %arg10[%swap3A_20] {strides = array<i32>} : memref<8208xi32, #tpu.memory_space<vmem>>, vector<16xi32>,
    tpu.vector_store %arg10[%swap3A_20], %broadcast_in_dim3A_14 {strides = array<i32>} : memref<8208xi32, #tpu.memory_space<vmem>>, vector<16xi32>,
    %add3A_22 = arith.constant 15 : i32
    %add3A_23 = arith.addi %scan3A_12#0, %add3A_22 : i32
    %jit3A = arith.constant 16 : i32
    %div3A = arith.divsi %add3A_23, %jit3A : i32
    %sign3A = arith.constant 0 : i32
    %sign3A_24 = arith.cmpi sgt, %add3A_23, %sign3A : i32
    %sign3A_25 = arith.extui %sign3A_24 : i1 to i32
    %sign3A_26 = arith.constant 0 : i32
    %sign3A_27 = arith.cmpi slt, %add3A_23, %sign3A_26 : i32
    %sign3A_28 = arith.extui %sign3A_27 : i1 to i32
    %sign3A_29 = arith.subi %sign3A_25, %sign3A_28 : i32
    %sign3A_30 = arith.constant 0 : i32
    %sign3A_31 = arith.cmpi sgt, %jit3A, %sign3A_30 : i32
    %sign3A_32 = arith.extui %sign3A_31 : i1 to i32
    %sign3A_33 = arith.constant 0 : i32
    %sign3A_34 = arith.cmpi slt, %jit3A, %sign3A_33 : i32
    %sign3A_35 = arith.extui %sign3A_34 : i1 to i32
    %sign3A_36 = arith.subi %sign3A_32, %sign3A_35 : i32
    %ne3A = arith.cmpi ne, %sign3A_29, %sign3A_36 : i32
    %rem3A = arith.remsi %add3A_23, %jit3A : i32
    %ne3A_37 = arith.constant 0 : i32
    %ne3A_38 = arith.cmpi ne, %rem3A, %ne3A_37 : i32
    %and3A = arith.andi %ne3A, %ne3A_38 : i1
    %sub3A = arith.constant 1 : i32
    %sub3A_39 = arith.subi %div3A, %sub3A : i32
    %select_n3A = arith.select %and3A, %sub3A_39, %div3A : i32
    %add3A_40 = arith.constant 15 : i32
    %add3A_41 = arith.addi %scan3A_12#2, %add3A_40 : i32
    %jit3A_42 = arith.constant 16 : i32
    %div3A_43 = arith.divsi %add3A_41, %jit3A_42 : i32
    %sign3A_44 = arith.constant 0 : i32
    %sign3A_45 = arith.cmpi sgt, %add3A_41, %sign3A_44 : i32
    %sign3A_46 = arith.extui %sign3A_45 : i1 to i32
    %sign3A_47 = arith.constant 0 : i32
    %sign3A_48 = arith.cmpi slt, %add3A_41, %sign3A_47 : i32
    %sign3A_49 = arith.extui %sign3A_48 : i1 to i32
    %sign3A_50 = arith.subi %sign3A_46, %sign3A_49 : i32
    %sign3A_51 = arith.constant 0 : i32
    %sign3A_52 = arith.cmpi sgt, %jit3A_42, %sign3A_51 : i32
    %sign3A_53 = arith.extui %sign3A_52 : i1 to i32
    %sign3A_54 = arith.constant 0 : i32
    %sign3A_55 = arith.cmpi slt, %jit3A_42, %sign3A_54 : i32
    %sign3A_56 = arith.extui %sign3A_55 : i1 to i32
    %sign3A_57 = arith.subi %sign3A_53, %sign3A_56 : i32
    %ne3A_58 = arith.cmpi ne, %sign3A_50, %sign3A_57 : i32
    %rem3A_59 = arith.remsi %add3A_41, %jit3A_42 : i32
    %ne3A_60 = arith.constant 0 : i32
    %ne3A_61 = arith.cmpi ne, %rem3A_59, %ne3A_60 : i32
    %and3A_62 = arith.andi %ne3A_58, %ne3A_61 : i1
    %sub3A_63 = arith.constant 1 : i32
    %sub3A_64 = arith.subi %div3A_43, %sub3A_63 : i32
    %select_n3A_65 = arith.select %and3A_62, %sub3A_64, %div3A_43 : i32
    %scan3A_66 = arith.constant 256 : i32
    %scan3A_67 = arith.constant 0 : i32
    %scan3A_68 = arith.constant 0 : i32
    %scan3A_69 = arith.constant 26 : i32
    %scan3A_70 = arith.addi %scan3A_68, %scan3A_69 : i32
    %scan3A_71 = arith.constant 1 : i32
    %scan3A_72 = scf.for %scan3A_322 = %scan3A_68 to %scan3A_70 step %scan3A_71 iter_args(%scan3A_323 = %scan3A_67) -> (i32)  : i32 {
      %sub3A_324 = arith.constant 25 : i32
      %sub3A_325 = arith.subi %sub3A_324, %scan3A_322 : i32
      %shift_left3A = arith.constant 1 : i32
      %shift_left3A_326 = arith.shli %shift_left3A, %sub3A_325 : i32
      %or3A = arith.ori %scan3A_323, %shift_left3A_326 : i32
      %while3A_327 = arith.constant 0 : i32
      %while3A_328 = arith.constant 0 : i32
      %while3A_329 = arith.subi %select_n3A, %while3A_327 : i32
      %while3A_330 = arith.addi %while3A_327, %while3A_329 : i32
      %while3A_331 = arith.constant 1 : i32
      %while3A_332 = arith.divsi %while3A_329, %while3A_331 : i32
      %while3A_333 = arith.muli %while3A_332, %while3A_331 : i32
      %while3A_334 = arith.addi %while3A_327, %while3A_333 : i32
      %while3A_335 = arith.constant 1 : i32
      %while3A_336 = scf.for %while3A_353 = %while3A_327 to %while3A_334 step %while3A_335 iter_args(%while3A_354 = %while3A_328) -> (i32)  : i32 {
        %mul3A_355 = arith.constant 16 : i32
        %mul3A_356 = arith.muli %while3A_353, %mul3A_355 : i32
        %get3A = arith.index_cast %mul3A_356 : i32 to index
        %get3A_357 = tpu.vector_load %arg7[%get3A] {strides = array<i32>} : memref<8208xi32, #tpu.memory_space<vmem>>, vector<16xi32>,
        %ge3A_358 = vector.broadcast %or3A : i32 to vector<16xi32>
        %ge3A_359 = arith.cmpi sge, %get3A_357, %ge3A_358 : vector<16xi32>
        %all_reduce_population_count3A = tpu.all_reduce %ge3A_359 {dim = 0 : i64, kind = #tpu.reduction_kind<sum>} : vector<16xi1> -> vector<16xi32>
        %slice3A = vector.extract_strided_slice %all_reduce_population_count3A {offsets = [0], sizes = [1], strides = [1]} : vector<16xi32> to vector<1xi32>
        %squeeze3A = vector.extract %slice3A[0] : i32 from vector<1xi32>
        %add3A_360 = arith.addi %while3A_354, %squeeze3A : i32
        scf.yield %add3A_360 : i32
      }
      %while3A_337 = arith.constant 1 : i32
      %while3A_338 = scf.for %while3A_353 = %while3A_334 to %while3A_330 step %while3A_337 iter_args(%while3A_354 = %while3A_336) -> (i32)  : i32 {
        %mul3A_355 = arith.constant 16 : i32
        %mul3A_356 = arith.muli %while3A_353, %mul3A_355 : i32
        %get3A = arith.index_cast %mul3A_356 : i32 to index
        %get3A_357 = tpu.vector_load %arg7[%get3A] {strides = array<i32>} : memref<8208xi32, #tpu.memory_space<vmem>>, vector<16xi32>,
        %ge3A_358 = vector.broadcast %or3A : i32 to vector<16xi32>
        %ge3A_359 = arith.cmpi sge, %get3A_357, %ge3A_358 : vector<16xi32>
        %all_reduce_population_count3A = tpu.all_reduce %ge3A_359 {dim = 0 : i64, kind = #tpu.reduction_kind<sum>} : vector<16xi1> -> vector<16xi32>
        %slice3A = vector.extract_strided_slice %all_reduce_population_count3A {offsets = [0], sizes = [1], strides = [1]} : vector<16xi32> to vector<1xi32>
        %squeeze3A = vector.extract %slice3A[0] : i32 from vector<1xi32>
        %add3A_360 = arith.addi %while3A_354, %squeeze3A : i32
        scf.yield %add3A_360 : i32
      }
      %while3A_339 = arith.constant 0 : i32
      %while3A_340 = arith.constant 0 : i32
      %while3A_341 = arith.subi %select_n3A_65, %while3A_339 : i32
      %while3A_342 = arith.addi %while3A_339, %while3A_341 : i32
      %while3A_343 = arith.constant 1 : i32
      %while3A_344 = arith.divsi %while3A_341, %while3A_343 : i32
      %while3A_345 = arith.muli %while3A_344, %while3A_343 : i32
      %while3A_346 = arith.addi %while3A_339, %while3A_345 : i32
      %while3A_347 = arith.constant 1 : i32
      %while3A_348 = scf.for %while3A_353 = %while3A_339 to %while3A_346 step %while3A_347 iter_args(%while3A_354 = %while3A_340) -> (i32)  : i32 {
        %mul3A_355 = arith.constant 16 : i32
        %mul3A_356 = arith.muli %while3A_353, %mul3A_355 : i32
        %get3A = arith.index_cast %mul3A_356 : i32 to index
        %get3A_357 = tpu.vector_load %arg8[%get3A] {strides = array<i32>} : memref<8208xi32, #tpu.memory_space<vmem>>, vector<16xi32>,
        %ge3A_358 = vector.broadcast %or3A : i32 to vector<16xi32>
        %ge3A_359 = arith.cmpi sge, %get3A_357, %ge3A_358 : vector<16xi32>
        %all_reduce_population_count3A = tpu.all_reduce %ge3A_359 {dim = 0 : i64, kind = #tpu.reduction_kind<sum>} : vector<16xi1> -> vector<16xi32>
        %slice3A = vector.extract_strided_slice %all_reduce_population_count3A {offsets = [0], sizes = [1], strides = [1]} : vector<16xi32> to vector<1xi32>
        %squeeze3A = vector.extract %slice3A[0] : i32 from vector<1xi32>
        %add3A_360 = arith.addi %while3A_354, %squeeze3A : i32
        scf.yield %add3A_360 : i32
      }
      %while3A_349 = arith.constant 1 : i32
      %while3A_350 = scf.for %while3A_353 = %while3A_346 to %while3A_342 step %while3A_349 iter_args(%while3A_354 = %while3A_348) -> (i32)  : i32 {
        %mul3A_355 = arith.constant 16 : i32
        %mul3A_356 = arith.muli %while3A_353, %mul3A_355 : i32
        %get3A = arith.index_cast %mul3A_356 : i32 to index
        %get3A_357 = tpu.vector_load %arg8[%get3A] {strides = array<i32>} : memref<8208xi32, #tpu.memory_space<vmem>>, vector<16xi32>,
        %ge3A_358 = vector.broadcast %or3A : i32 to vector<16xi32>
        %ge3A_359 = arith.cmpi sge, %get3A_357, %ge3A_358 : vector<16xi32>
        %all_reduce_population_count3A = tpu.all_reduce %ge3A_359 {dim = 0 : i64, kind = #tpu.reduction_kind<sum>} : vector<16xi1> -> vector<16xi32>
        %slice3A = vector.extract_strided_slice %all_reduce_population_count3A {offsets = [0], sizes = [1], strides = [1]} : vector<16xi32> to vector<1xi32>
        %squeeze3A = vector.extract %slice3A[0] : i32 from vector<1xi32>
        %add3A_360 = arith.addi %while3A_354, %squeeze3A : i32
        scf.yield %add3A_360 : i32
      }
      %add3A_351 = arith.addi %while3A_338, %while3A_350 : i32
      %ge3A = arith.cmpi sge, %add3A_351, %scan3A_66 : i32
      %select_n3A_352 = arith.select %ge3A, %or3A, %scan3A_323 : i32
      scf.yield %select_n3A_352 : i32
    }
    %scan3A_73 = arith.constant 26 : i32
    %while3A = arith.constant 0 : i32
    %while3A_74 = arith.constant 0 : i32
    %while3A_75 = arith.subi %select_n3A, %while3A : i32
    %while3A_76 = arith.addi %while3A, %while3A_75 : i32
    %while3A_77 = arith.constant 1 : i32
    %while3A_78 = arith.divsi %while3A_75, %while3A_77 : i32
    %while3A_79 = arith.muli %while3A_78, %while3A_77 : i32
    %while3A_80 = arith.addi %while3A, %while3A_79 : i32
    %while3A_81 = arith.constant 1 : i32
    %while3A_82 = scf.for %while3A_322 = %while3A to %while3A_80 step %while3A_81 iter_args(%while3A_323 = %while3A_74) -> (i32)  : i32 {
      %mul3A_324 = arith.constant 16 : i32
      %mul3A_325 = arith.muli %while3A_322, %mul3A_324 : i32
      %get3A = arith.index_cast %mul3A_325 : i32 to index
      %get3A_326 = tpu.vector_load %arg7[%get3A] {strides = array<i32>} : memref<8208xi32, #tpu.memory_space<vmem>>, vector<16xi32>,
      %ge3A = vector.broadcast %scan3A_72 : i32 to vector<16xi32>
      %ge3A_327 = arith.cmpi sge, %get3A_326, %ge3A : vector<16xi32>
      %all_reduce_population_count3A = tpu.all_reduce %ge3A_327 {dim = 0 : i64, kind = #tpu.reduction_kind<sum>} : vector<16xi1> -> vector<16xi32>
      %slice3A = vector.extract_strided_slice %all_reduce_population_count3A {offsets = [0], sizes = [1], strides = [1]} : vector<16xi32> to vector<1xi32>
      %squeeze3A = vector.extract %slice3A[0] : i32 from vector<1xi32>
      %add3A_328 = arith.addi %while3A_323, %squeeze3A : i32
      scf.yield %add3A_328 : i32
    }
    %while3A_83 = arith.constant 1 : i32
    %while3A_84 = scf.for %while3A_322 = %while3A_80 to %while3A_76 step %while3A_83 iter_args(%while3A_323 = %while3A_82) -> (i32)  : i32 {
      %mul3A_324 = arith.constant 16 : i32
      %mul3A_325 = arith.muli %while3A_322, %mul3A_324 : i32
      %get3A = arith.index_cast %mul3A_325 : i32 to index
      %get3A_326 = tpu.vector_load %arg7[%get3A] {strides = array<i32>} : memref<8208xi32, #tpu.memory_space<vmem>>, vector<16xi32>,
      %ge3A = vector.broadcast %scan3A_72 : i32 to vector<16xi32>
      %ge3A_327 = arith.cmpi sge, %get3A_326, %ge3A : vector<16xi32>
      %all_reduce_population_count3A = tpu.all_reduce %ge3A_327 {dim = 0 : i64, kind = #tpu.reduction_kind<sum>} : vector<16xi1> -> vector<16xi32>
      %slice3A = vector.extract_strided_slice %all_reduce_population_count3A {offsets = [0], sizes = [1], strides = [1]} : vector<16xi32> to vector<1xi32>
      %squeeze3A = vector.extract %slice3A[0] : i32 from vector<1xi32>
      %add3A_328 = arith.addi %while3A_323, %squeeze3A : i32
      scf.yield %add3A_328 : i32
    }
    %while3A_85 = arith.constant 0 : i32
    %while3A_86 = arith.constant 0 : i32
    %while3A_87 = arith.subi %select_n3A_65, %while3A_85 : i32
    %while3A_88 = arith.addi %while3A_85, %while3A_87 : i32
    %while3A_89 = arith.constant 1 : i32
    %while3A_90 = arith.divsi %while3A_87, %while3A_89 : i32
    %while3A_91 = arith.muli %while3A_90, %while3A_89 : i32
    %while3A_92 = arith.addi %while3A_85, %while3A_91 : i32
    %while3A_93 = arith.constant 1 : i32
    %while3A_94 = scf.for %while3A_322 = %while3A_85 to %while3A_92 step %while3A_93 iter_args(%while3A_323 = %while3A_86) -> (i32)  : i32 {
      %mul3A_324 = arith.constant 16 : i32
      %mul3A_325 = arith.muli %while3A_322, %mul3A_324 : i32
      %get3A = arith.index_cast %mul3A_325 : i32 to index
      %get3A_326 = tpu.vector_load %arg8[%get3A] {strides = array<i32>} : memref<8208xi32, #tpu.memory_space<vmem>>, vector<16xi32>,
      %ge3A = vector.broadcast %scan3A_72 : i32 to vector<16xi32>
      %ge3A_327 = arith.cmpi sge, %get3A_326, %ge3A : vector<16xi32>
      %all_reduce_population_count3A = tpu.all_reduce %ge3A_327 {dim = 0 : i64, kind = #tpu.reduction_kind<sum>} : vector<16xi1> -> vector<16xi32>
      %slice3A = vector.extract_strided_slice %all_reduce_population_count3A {offsets = [0], sizes = [1], strides = [1]} : vector<16xi32> to vector<1xi32>
      %squeeze3A = vector.extract %slice3A[0] : i32 from vector<1xi32>
      %add3A_328 = arith.addi %while3A_323, %squeeze3A : i32
      scf.yield %add3A_328 : i32
    }
    %while3A_95 = arith.constant 1 : i32
    %while3A_96 = scf.for %while3A_322 = %while3A_92 to %while3A_88 step %while3A_95 iter_args(%while3A_323 = %while3A_94) -> (i32)  : i32 {
      %mul3A_324 = arith.constant 16 : i32
      %mul3A_325 = arith.muli %while3A_322, %mul3A_324 : i32
      %get3A = arith.index_cast %mul3A_325 : i32 to index
      %get3A_326 = tpu.vector_load %arg8[%get3A] {strides = array<i32>} : memref<8208xi32, #tpu.memory_space<vmem>>, vector<16xi32>,
      %ge3A = vector.broadcast %scan3A_72 : i32 to vector<16xi32>
      %ge3A_327 = arith.cmpi sge, %get3A_326, %ge3A : vector<16xi32>
      %all_reduce_population_count3A = tpu.all_reduce %ge3A_327 {dim = 0 : i64, kind = #tpu.reduction_kind<sum>} : vector<16xi1> -> vector<16xi32>
      %slice3A = vector.extract_strided_slice %all_reduce_population_count3A {offsets = [0], sizes = [1], strides = [1]} : vector<16xi32> to vector<1xi32>
      %squeeze3A = vector.extract %slice3A[0] : i32 from vector<1xi32>
      %add3A_328 = arith.addi %while3A_323, %squeeze3A : i32
      scf.yield %add3A_328 : i32
    }
    %add3A_97 = arith.addi %while3A_84, %while3A_96 : i32
    %add3A_98 = arith.constant 1 : i32
    %add3A_99 = arith.addi %scan3A_72, %add3A_98 : i32
    %while3A_100 = arith.constant 0 : i32
    %while3A_101 = arith.constant 0 : i32
    %while3A_102 = arith.subi %select_n3A, %while3A_100 : i32
    %while3A_103 = arith.addi %while3A_100, %while3A_102 : i32
    %while3A_104 = arith.constant 1 : i32
    %while3A_105 = arith.divsi %while3A_102, %while3A_104 : i32
    %while3A_106 = arith.muli %while3A_105, %while3A_104 : i32
    %while3A_107 = arith.addi %while3A_100, %while3A_106 : i32
    %while3A_108 = arith.constant 1 : i32
    %while3A_109 = scf.for %while3A_322 = %while3A_100 to %while3A_107 step %while3A_108 iter_args(%while3A_323 = %while3A_101) -> (i32)  : i32 {
      %mul3A_324 = arith.constant 16 : i32
      %mul3A_325 = arith.muli %while3A_322, %mul3A_324 : i32
      %get3A = arith.index_cast %mul3A_325 : i32 to index
      %get3A_326 = tpu.vector_load %arg7[%get3A] {strides = array<i32>} : memref<8208xi32, #tpu.memory_space<vmem>>, vector<16xi32>,
      %ge3A = vector.broadcast %add3A_99 : i32 to vector<16xi32>
      %ge3A_327 = arith.cmpi sge, %get3A_326, %ge3A : vector<16xi32>
      %all_reduce_population_count3A = tpu.all_reduce %ge3A_327 {dim = 0 : i64, kind = #tpu.reduction_kind<sum>} : vector<16xi1> -> vector<16xi32>
      %slice3A = vector.extract_strided_slice %all_reduce_population_count3A {offsets = [0], sizes = [1], strides = [1]} : vector<16xi32> to vector<1xi32>
      %squeeze3A = vector.extract %slice3A[0] : i32 from vector<1xi32>
      %add3A_328 = arith.addi %while3A_323, %squeeze3A : i32
      scf.yield %add3A_328 : i32
    }
    %while3A_110 = arith.constant 1 : i32
    %while3A_111 = scf.for %while3A_322 = %while3A_107 to %while3A_103 step %while3A_110 iter_args(%while3A_323 = %while3A_109) -> (i32)  : i32 {
      %mul3A_324 = arith.constant 16 : i32
      %mul3A_325 = arith.muli %while3A_322, %mul3A_324 : i32
      %get3A = arith.index_cast %mul3A_325 : i32 to index
      %get3A_326 = tpu.vector_load %arg7[%get3A] {strides = array<i32>} : memref<8208xi32, #tpu.memory_space<vmem>>, vector<16xi32>,
      %ge3A = vector.broadcast %add3A_99 : i32 to vector<16xi32>
      %ge3A_327 = arith.cmpi sge, %get3A_326, %ge3A : vector<16xi32>
      %all_reduce_population_count3A = tpu.all_reduce %ge3A_327 {dim = 0 : i64, kind = #tpu.reduction_kind<sum>} : vector<16xi1> -> vector<16xi32>
      %slice3A = vector.extract_strided_slice %all_reduce_population_count3A {offsets = [0], sizes = [1], strides = [1]} : vector<16xi32> to vector<1xi32>
      %squeeze3A = vector.extract %slice3A[0] : i32 from vector<1xi32>
      %add3A_328 = arith.addi %while3A_323, %squeeze3A : i32
      scf.yield %add3A_328 : i32
    }
    %while3A_112 = arith.constant 0 : i32
    %while3A_113 = arith.constant 0 : i32
    %while3A_114 = arith.subi %select_n3A_65, %while3A_112 : i32
    %while3A_115 = arith.addi %while3A_112, %while3A_114 : i32
    %while3A_116 = arith.constant 1 : i32
    %while3A_117 = arith.divsi %while3A_114, %while3A_116 : i32
    %while3A_118 = arith.muli %while3A_117, %while3A_116 : i32
    %while3A_119 = arith.addi %while3A_112, %while3A_118 : i32
    %while3A_120 = arith.constant 1 : i32
    %while3A_121 = scf.for %while3A_322 = %while3A_112 to %while3A_119 step %while3A_120 iter_args(%while3A_323 = %while3A_113) -> (i32)  : i32 {
      %mul3A_324 = arith.constant 16 : i32
      %mul3A_325 = arith.muli %while3A_322, %mul3A_324 : i32
      %get3A = arith.index_cast %mul3A_325 : i32 to index
      %get3A_326 = tpu.vector_load %arg8[%get3A] {strides = array<i32>} : memref<8208xi32, #tpu.memory_space<vmem>>, vector<16xi32>,
      %ge3A = vector.broadcast %add3A_99 : i32 to vector<16xi32>
      %ge3A_327 = arith.cmpi sge, %get3A_326, %ge3A : vector<16xi32>
      %all_reduce_population_count3A = tpu.all_reduce %ge3A_327 {dim = 0 : i64, kind = #tpu.reduction_kind<sum>} : vector<16xi1> -> vector<16xi32>
      %slice3A = vector.extract_strided_slice %all_reduce_population_count3A {offsets = [0], sizes = [1], strides = [1]} : vector<16xi32> to vector<1xi32>
      %squeeze3A = vector.extract %slice3A[0] : i32 from vector<1xi32>
      %add3A_328 = arith.addi %while3A_323, %squeeze3A : i32
      scf.yield %add3A_328 : i32
    }
    %while3A_122 = arith.constant 1 : i32
    %while3A_123 = scf.for %while3A_322 = %while3A_119 to %while3A_115 step %while3A_122 iter_args(%while3A_323 = %while3A_121) -> (i32)  : i32 {
      %mul3A_324 = arith.constant 16 : i32
      %mul3A_325 = arith.muli %while3A_322, %mul3A_324 : i32
      %get3A = arith.index_cast %mul3A_325 : i32 to index
      %get3A_326 = tpu.vector_load %arg8[%get3A] {strides = array<i32>} : memref<8208xi32, #tpu.memory_space<vmem>>, vector<16xi32>,
      %ge3A = vector.broadcast %add3A_99 : i32 to vector<16xi32>
      %ge3A_327 = arith.cmpi sge, %get3A_326, %ge3A : vector<16xi32>
      %all_reduce_population_count3A = tpu.all_reduce %ge3A_327 {dim = 0 : i64, kind = #tpu.reduction_kind<sum>} : vector<16xi1> -> vector<16xi32>
      %slice3A = vector.extract_strided_slice %all_reduce_population_count3A {offsets = [0], sizes = [1], strides = [1]} : vector<16xi32> to vector<1xi32>
      %squeeze3A = vector.extract %slice3A[0] : i32 from vector<1xi32>
      %add3A_328 = arith.addi %while3A_323, %squeeze3A : i32
      scf.yield %add3A_328 : i32
    }
    %add3A_124 = arith.addi %while3A_111, %while3A_123 : i32
    %gt3A = arith.constant 0 : i32
    %gt3A_125 = arith.cmpi sgt, %scan3A_72, %gt3A : i32
    %sub3A_126 = arith.constant 256 : i32
    %sub3A_127 = arith.subi %sub3A_126, %add3A_124 : i32
    %jit3A_128 = arith.constant 0 : i32
    %select_n3A_129 = arith.select %gt3A_125, %sub3A_127, %jit3A_128 : i32
    %add3A_130 = arith.addi %scan3A_12#0, %scan3A_12#2 : i32
    %min3A = arith.constant 256 : i32
    %min3A_131 = arith.minsi %add3A_130, %min3A : i32
    %gt3A_132 = arith.constant 0 : i32
    %gt3A_133 = arith.cmpi sgt, %scan3A_72, %gt3A_132 : i32
    %eq3A = arith.constant 256 : i32
    %eq3A_134 = arith.cmpi eq, %add3A_97, %eq3A : i32
    %convert_element_type3A = arith.extui %eq3A_134 : i1 to i32
    %jit3A_135 = arith.constant 1 : i32
    %select_n3A_136 = arith.select %gt3A_133, %convert_element_type3A, %jit3A_135 : i32
    %max3A = arith.constant 1 : i32
    %max3A_137 = arith.maxsi %scan3A_72, %max3A : i32
    %add3A_138 = arith.constant 15 : i32
    %add3A_139 = arith.addi %scan3A_12#1, %add3A_138 : i32
    %jit3A_140 = arith.constant 16 : i32
    %div3A_141 = arith.divsi %add3A_139, %jit3A_140 : i32
    %sign3A_142 = arith.constant 0 : i32
    %sign3A_143 = arith.cmpi sgt, %add3A_139, %sign3A_142 : i32
    %sign3A_144 = arith.extui %sign3A_143 : i1 to i32
    %sign3A_145 = arith.constant 0 : i32
    %sign3A_146 = arith.cmpi slt, %add3A_139, %sign3A_145 : i32
    %sign3A_147 = arith.extui %sign3A_146 : i1 to i32
    %sign3A_148 = arith.subi %sign3A_144, %sign3A_147 : i32
    %sign3A_149 = arith.constant 0 : i32
    %sign3A_150 = arith.cmpi sgt, %jit3A_140, %sign3A_149 : i32
    %sign3A_151 = arith.extui %sign3A_150 : i1 to i32
    %sign3A_152 = arith.constant 0 : i32
    %sign3A_153 = arith.cmpi slt, %jit3A_140, %sign3A_152 : i32
    %sign3A_154 = arith.extui %sign3A_153 : i1 to i32
    %sign3A_155 = arith.subi %sign3A_151, %sign3A_154 : i32
    %ne3A_156 = arith.cmpi ne, %sign3A_148, %sign3A_155 : i32
    %rem3A_157 = arith.remsi %add3A_139, %jit3A_140 : i32
    %ne3A_158 = arith.constant 0 : i32
    %ne3A_159 = arith.cmpi ne, %rem3A_157, %ne3A_158 : i32
    %and3A_160 = arith.andi %ne3A_156, %ne3A_159 : i1
    %sub3A_161 = arith.constant 1 : i32
    %sub3A_162 = arith.subi %div3A_141, %sub3A_161 : i32
    %select_n3A_163 = arith.select %and3A_160, %sub3A_162, %div3A_141 : i32
    %add3A_164 = arith.constant 15 : i32
    %add3A_165 = arith.addi %scan3A_12#3, %add3A_164 : i32
    %jit3A_166 = arith.constant 16 : i32
    %div3A_167 = arith.divsi %add3A_165, %jit3A_166 : i32
    %sign3A_168 = arith.constant 0 : i32
    %sign3A_169 = arith.cmpi sgt, %add3A_165, %sign3A_168 : i32
    %sign3A_170 = arith.extui %sign3A_169 : i1 to i32
    %sign3A_171 = arith.constant 0 : i32
    %sign3A_172 = arith.cmpi slt, %add3A_165, %sign3A_171 : i32
    %sign3A_173 = arith.extui %sign3A_172 : i1 to i32
    %sign3A_174 = arith.subi %sign3A_170, %sign3A_173 : i32
    %sign3A_175 = arith.constant 0 : i32
    %sign3A_176 = arith.cmpi sgt, %jit3A_166, %sign3A_175 : i32
    %sign3A_177 = arith.extui %sign3A_176 : i1 to i32
    %sign3A_178 = arith.constant 0 : i32
    %sign3A_179 = arith.cmpi slt, %jit3A_166, %sign3A_178 : i32
    %sign3A_180 = arith.extui %sign3A_179 : i1 to i32
    %sign3A_181 = arith.subi %sign3A_177, %sign3A_180 : i32
    %ne3A_182 = arith.cmpi ne, %sign3A_174, %sign3A_181 : i32
    %rem3A_183 = arith.remsi %add3A_165, %jit3A_166 : i32
    %ne3A_184 = arith.constant 0 : i32
    %ne3A_185 = arith.cmpi ne, %rem3A_183, %ne3A_184 : i32
    %and3A_186 = arith.andi %ne3A_182, %ne3A_185 : i1
    %sub3A_187 = arith.constant 1 : i32
    %sub3A_188 = arith.subi %div3A_167, %sub3A_187 : i32
    %select_n3A_189 = arith.select %and3A_186, %sub3A_188, %div3A_167 : i32
    %scan3A_190 = arith.constant 256 : i32
    %scan3A_191 = arith.constant 0 : i32
    %scan3A_192 = arith.constant 0 : i32
    %scan3A_193 = arith.constant 26 : i32
    %scan3A_194 = arith.addi %scan3A_192, %scan3A_193 : i32
    %scan3A_195 = arith.constant 1 : i32
    %scan3A_196 = scf.for %scan3A_322 = %scan3A_192 to %scan3A_194 step %scan3A_195 iter_args(%scan3A_323 = %scan3A_191) -> (i32)  : i32 {
      %sub3A_324 = arith.constant 25 : i32
      %sub3A_325 = arith.subi %sub3A_324, %scan3A_322 : i32
      %shift_left3A = arith.constant 1 : i32
      %shift_left3A_326 = arith.shli %shift_left3A, %sub3A_325 : i32
      %or3A = arith.ori %scan3A_323, %shift_left3A_326 : i32
      %while3A_327 = arith.constant 0 : i32
      %while3A_328 = arith.constant 0 : i32
      %while3A_329 = arith.subi %select_n3A_163, %while3A_327 : i32
      %while3A_330 = arith.addi %while3A_327, %while3A_329 : i32
      %while3A_331 = arith.constant 1 : i32
      %while3A_332 = arith.divsi %while3A_329, %while3A_331 : i32
      %while3A_333 = arith.muli %while3A_332, %while3A_331 : i32
      %while3A_334 = arith.addi %while3A_327, %while3A_333 : i32
      %while3A_335 = arith.constant 1 : i32
      %while3A_336 = scf.for %while3A_353 = %while3A_327 to %while3A_334 step %while3A_335 iter_args(%while3A_354 = %while3A_328) -> (i32)  : i32 {
        %mul3A_355 = arith.constant 16 : i32
        %mul3A_356 = arith.muli %while3A_353, %mul3A_355 : i32
        %get3A = arith.index_cast %mul3A_356 : i32 to index
        %get3A_357 = tpu.vector_load %arg9[%get3A] {strides = array<i32>} : memref<8208xi32, #tpu.memory_space<vmem>>, vector<16xi32>,
        %ge3A_358 = vector.broadcast %or3A : i32 to vector<16xi32>
        %ge3A_359 = arith.cmpi sge, %get3A_357, %ge3A_358 : vector<16xi32>
        %all_reduce_population_count3A = tpu.all_reduce %ge3A_359 {dim = 0 : i64, kind = #tpu.reduction_kind<sum>} : vector<16xi1> -> vector<16xi32>
        %slice3A = vector.extract_strided_slice %all_reduce_population_count3A {offsets = [0], sizes = [1], strides = [1]} : vector<16xi32> to vector<1xi32>
        %squeeze3A = vector.extract %slice3A[0] : i32 from vector<1xi32>
        %add3A_360 = arith.addi %while3A_354, %squeeze3A : i32
        scf.yield %add3A_360 : i32
      }
      %while3A_337 = arith.constant 1 : i32
      %while3A_338 = scf.for %while3A_353 = %while3A_334 to %while3A_330 step %while3A_337 iter_args(%while3A_354 = %while3A_336) -> (i32)  : i32 {
        %mul3A_355 = arith.constant 16 : i32
        %mul3A_356 = arith.muli %while3A_353, %mul3A_355 : i32
        %get3A = arith.index_cast %mul3A_356 : i32 to index
        %get3A_357 = tpu.vector_load %arg9[%get3A] {strides = array<i32>} : memref<8208xi32, #tpu.memory_space<vmem>>, vector<16xi32>,
        %ge3A_358 = vector.broadcast %or3A : i32 to vector<16xi32>
        %ge3A_359 = arith.cmpi sge, %get3A_357, %ge3A_358 : vector<16xi32>
        %all_reduce_population_count3A = tpu.all_reduce %ge3A_359 {dim = 0 : i64, kind = #tpu.reduction_kind<sum>} : vector<16xi1> -> vector<16xi32>
        %slice3A = vector.extract_strided_slice %all_reduce_population_count3A {offsets = [0], sizes = [1], strides = [1]} : vector<16xi32> to vector<1xi32>
        %squeeze3A = vector.extract %slice3A[0] : i32 from vector<1xi32>
        %add3A_360 = arith.addi %while3A_354, %squeeze3A : i32
        scf.yield %add3A_360 : i32
      }
      %while3A_339 = arith.constant 0 : i32
      %while3A_340 = arith.constant 0 : i32
      %while3A_341 = arith.subi %select_n3A_189, %while3A_339 : i32
      %while3A_342 = arith.addi %while3A_339, %while3A_341 : i32
      %while3A_343 = arith.constant 1 : i32
      %while3A_344 = arith.divsi %while3A_341, %while3A_343 : i32
      %while3A_345 = arith.muli %while3A_344, %while3A_343 : i32
      %while3A_346 = arith.addi %while3A_339, %while3A_345 : i32
      %while3A_347 = arith.constant 1 : i32
      %while3A_348 = scf.for %while3A_353 = %while3A_339 to %while3A_346 step %while3A_347 iter_args(%while3A_354 = %while3A_340) -> (i32)  : i32 {
        %mul3A_355 = arith.constant 16 : i32
        %mul3A_356 = arith.muli %while3A_353, %mul3A_355 : i32
        %get3A = arith.index_cast %mul3A_356 : i32 to index
        %get3A_357 = tpu.vector_load %arg10[%get3A] {strides = array<i32>} : memref<8208xi32, #tpu.memory_space<vmem>>, vector<16xi32>,
        %ge3A_358 = vector.broadcast %or3A : i32 to vector<16xi32>
        %ge3A_359 = arith.cmpi sge, %get3A_357, %ge3A_358 : vector<16xi32>
        %all_reduce_population_count3A = tpu.all_reduce %ge3A_359 {dim = 0 : i64, kind = #tpu.reduction_kind<sum>} : vector<16xi1> -> vector<16xi32>
        %slice3A = vector.extract_strided_slice %all_reduce_population_count3A {offsets = [0], sizes = [1], strides = [1]} : vector<16xi32> to vector<1xi32>
        %squeeze3A = vector.extract %slice3A[0] : i32 from vector<1xi32>
        %add3A_360 = arith.addi %while3A_354, %squeeze3A : i32
        scf.yield %add3A_360 : i32
      }
      %while3A_349 = arith.constant 1 : i32
      %while3A_350 = scf.for %while3A_353 = %while3A_346 to %while3A_342 step %while3A_349 iter_args(%while3A_354 = %while3A_348) -> (i32)  : i32 {
        %mul3A_355 = arith.constant 16 : i32
        %mul3A_356 = arith.muli %while3A_353, %mul3A_355 : i32
        %get3A = arith.index_cast %mul3A_356 : i32 to index
        %get3A_357 = tpu.vector_load %arg10[%get3A] {strides = array<i32>} : memref<8208xi32, #tpu.memory_space<vmem>>, vector<16xi32>,
        %ge3A_358 = vector.broadcast %or3A : i32 to vector<16xi32>
        %ge3A_359 = arith.cmpi sge, %get3A_357, %ge3A_358 : vector<16xi32>
        %all_reduce_population_count3A = tpu.all_reduce %ge3A_359 {dim = 0 : i64, kind = #tpu.reduction_kind<sum>} : vector<16xi1> -> vector<16xi32>
        %slice3A = vector.extract_strided_slice %all_reduce_population_count3A {offsets = [0], sizes = [1], strides = [1]} : vector<16xi32> to vector<1xi32>
        %squeeze3A = vector.extract %slice3A[0] : i32 from vector<1xi32>
        %add3A_360 = arith.addi %while3A_354, %squeeze3A : i32
        scf.yield %add3A_360 : i32
      }
      %add3A_351 = arith.addi %while3A_338, %while3A_350 : i32
      %ge3A = arith.cmpi sge, %add3A_351, %scan3A_190 : i32
      %select_n3A_352 = arith.select %ge3A, %or3A, %scan3A_323 : i32
      scf.yield %select_n3A_352 : i32
    }
    %scan3A_197 = arith.constant 26 : i32
    %while3A_198 = arith.constant 0 : i32
    %while3A_199 = arith.constant 0 : i32
    %while3A_200 = arith.subi %select_n3A_163, %while3A_198 : i32
    %while3A_201 = arith.addi %while3A_198, %while3A_200 : i32
    %while3A_202 = arith.constant 1 : i32
    %while3A_203 = arith.divsi %while3A_200, %while3A_202 : i32
    %while3A_204 = arith.muli %while3A_203, %while3A_202 : i32
    %while3A_205 = arith.addi %while3A_198, %while3A_204 : i32
    %while3A_206 = arith.constant 1 : i32
    %while3A_207 = scf.for %while3A_322 = %while3A_198 to %while3A_205 step %while3A_206 iter_args(%while3A_323 = %while3A_199) -> (i32)  : i32 {
      %mul3A_324 = arith.constant 16 : i32
      %mul3A_325 = arith.muli %while3A_322, %mul3A_324 : i32
      %get3A = arith.index_cast %mul3A_325 : i32 to index
      %get3A_326 = tpu.vector_load %arg9[%get3A] {strides = array<i32>} : memref<8208xi32, #tpu.memory_space<vmem>>, vector<16xi32>,
      %ge3A = vector.broadcast %scan3A_196 : i32 to vector<16xi32>
      %ge3A_327 = arith.cmpi sge, %get3A_326, %ge3A : vector<16xi32>
      %all_reduce_population_count3A = tpu.all_reduce %ge3A_327 {dim = 0 : i64, kind = #tpu.reduction_kind<sum>} : vector<16xi1> -> vector<16xi32>
      %slice3A = vector.extract_strided_slice %all_reduce_population_count3A {offsets = [0], sizes = [1], strides = [1]} : vector<16xi32> to vector<1xi32>
      %squeeze3A = vector.extract %slice3A[0] : i32 from vector<1xi32>
      %add3A_328 = arith.addi %while3A_323, %squeeze3A : i32
      scf.yield %add3A_328 : i32
    }
    %while3A_208 = arith.constant 1 : i32
    %while3A_209 = scf.for %while3A_322 = %while3A_205 to %while3A_201 step %while3A_208 iter_args(%while3A_323 = %while3A_207) -> (i32)  : i32 {
      %mul3A_324 = arith.constant 16 : i32
      %mul3A_325 = arith.muli %while3A_322, %mul3A_324 : i32
      %get3A = arith.index_cast %mul3A_325 : i32 to index
      %get3A_326 = tpu.vector_load %arg9[%get3A] {strides = array<i32>} : memref<8208xi32, #tpu.memory_space<vmem>>, vector<16xi32>,
      %ge3A = vector.broadcast %scan3A_196 : i32 to vector<16xi32>
      %ge3A_327 = arith.cmpi sge, %get3A_326, %ge3A : vector<16xi32>
      %all_reduce_population_count3A = tpu.all_reduce %ge3A_327 {dim = 0 : i64, kind = #tpu.reduction_kind<sum>} : vector<16xi1> -> vector<16xi32>
      %slice3A = vector.extract_strided_slice %all_reduce_population_count3A {offsets = [0], sizes = [1], strides = [1]} : vector<16xi32> to vector<1xi32>
      %squeeze3A = vector.extract %slice3A[0] : i32 from vector<1xi32>
      %add3A_328 = arith.addi %while3A_323, %squeeze3A : i32
      scf.yield %add3A_328 : i32
    }
    %while3A_210 = arith.constant 0 : i32
    %while3A_211 = arith.constant 0 : i32
    %while3A_212 = arith.subi %select_n3A_189, %while3A_210 : i32
    %while3A_213 = arith.addi %while3A_210, %while3A_212 : i32
    %while3A_214 = arith.constant 1 : i32
    %while3A_215 = arith.divsi %while3A_212, %while3A_214 : i32
    %while3A_216 = arith.muli %while3A_215, %while3A_214 : i32
    %while3A_217 = arith.addi %while3A_210, %while3A_216 : i32
    %while3A_218 = arith.constant 1 : i32
    %while3A_219 = scf.for %while3A_322 = %while3A_210 to %while3A_217 step %while3A_218 iter_args(%while3A_323 = %while3A_211) -> (i32)  : i32 {
      %mul3A_324 = arith.constant 16 : i32
      %mul3A_325 = arith.muli %while3A_322, %mul3A_324 : i32
      %get3A = arith.index_cast %mul3A_325 : i32 to index
      %get3A_326 = tpu.vector_load %arg10[%get3A] {strides = array<i32>} : memref<8208xi32, #tpu.memory_space<vmem>>, vector<16xi32>,
      %ge3A = vector.broadcast %scan3A_196 : i32 to vector<16xi32>
      %ge3A_327 = arith.cmpi sge, %get3A_326, %ge3A : vector<16xi32>
      %all_reduce_population_count3A = tpu.all_reduce %ge3A_327 {dim = 0 : i64, kind = #tpu.reduction_kind<sum>} : vector<16xi1> -> vector<16xi32>
      %slice3A = vector.extract_strided_slice %all_reduce_population_count3A {offsets = [0], sizes = [1], strides = [1]} : vector<16xi32> to vector<1xi32>
      %squeeze3A = vector.extract %slice3A[0] : i32 from vector<1xi32>
      %add3A_328 = arith.addi %while3A_323, %squeeze3A : i32
      scf.yield %add3A_328 : i32
    }
    %while3A_220 = arith.constant 1 : i32
    %while3A_221 = scf.for %while3A_322 = %while3A_217 to %while3A_213 step %while3A_220 iter_args(%while3A_323 = %while3A_219) -> (i32)  : i32 {
      %mul3A_324 = arith.constant 16 : i32
      %mul3A_325 = arith.muli %while3A_322, %mul3A_324 : i32
      %get3A = arith.index_cast %mul3A_325 : i32 to index
      %get3A_326 = tpu.vector_load %arg10[%get3A] {strides = array<i32>} : memref<8208xi32, #tpu.memory_space<vmem>>, vector<16xi32>,
      %ge3A = vector.broadcast %scan3A_196 : i32 to vector<16xi32>
      %ge3A_327 = arith.cmpi sge, %get3A_326, %ge3A : vector<16xi32>
      %all_reduce_population_count3A = tpu.all_reduce %ge3A_327 {dim = 0 : i64, kind = #tpu.reduction_kind<sum>} : vector<16xi1> -> vector<16xi32>
      %slice3A = vector.extract_strided_slice %all_reduce_population_count3A {offsets = [0], sizes = [1], strides = [1]} : vector<16xi32> to vector<1xi32>
      %squeeze3A = vector.extract %slice3A[0] : i32 from vector<1xi32>
      %add3A_328 = arith.addi %while3A_323, %squeeze3A : i32
      scf.yield %add3A_328 : i32
    }
    %add3A_222 = arith.addi %while3A_209, %while3A_221 : i32
    %add3A_223 = arith.constant 1 : i32
    %add3A_224 = arith.addi %scan3A_196, %add3A_223 : i32
    %while3A_225 = arith.constant 0 : i32
    %while3A_226 = arith.constant 0 : i32
    %while3A_227 = arith.subi %select_n3A_163, %while3A_225 : i32
    %while3A_228 = arith.addi %while3A_225, %while3A_227 : i32
    %while3A_229 = arith.constant 1 : i32
    %while3A_230 = arith.divsi %while3A_227, %while3A_229 : i32
    %while3A_231 = arith.muli %while3A_230, %while3A_229 : i32
    %while3A_232 = arith.addi %while3A_225, %while3A_231 : i32
    %while3A_233 = arith.constant 1 : i32
    %while3A_234 = scf.for %while3A_322 = %while3A_225 to %while3A_232 step %while3A_233 iter_args(%while3A_323 = %while3A_226) -> (i32)  : i32 {
      %mul3A_324 = arith.constant 16 : i32
      %mul3A_325 = arith.muli %while3A_322, %mul3A_324 : i32
      %get3A = arith.index_cast %mul3A_325 : i32 to index
      %get3A_326 = tpu.vector_load %arg9[%get3A] {strides = array<i32>} : memref<8208xi32, #tpu.memory_space<vmem>>, vector<16xi32>,
      %ge3A = vector.broadcast %add3A_224 : i32 to vector<16xi32>
      %ge3A_327 = arith.cmpi sge, %get3A_326, %ge3A : vector<16xi32>
      %all_reduce_population_count3A = tpu.all_reduce %ge3A_327 {dim = 0 : i64, kind = #tpu.reduction_kind<sum>} : vector<16xi1> -> vector<16xi32>
      %slice3A = vector.extract_strided_slice %all_reduce_population_count3A {offsets = [0], sizes = [1], strides = [1]} : vector<16xi32> to vector<1xi32>
      %squeeze3A = vector.extract %slice3A[0] : i32 from vector<1xi32>
      %add3A_328 = arith.addi %while3A_323, %squeeze3A : i32
      scf.yield %add3A_328 : i32
    }
    %while3A_235 = arith.constant 1 : i32
    %while3A_236 = scf.for %while3A_322 = %while3A_232 to %while3A_228 step %while3A_235 iter_args(%while3A_323 = %while3A_234) -> (i32)  : i32 {
      %mul3A_324 = arith.constant 16 : i32
      %mul3A_325 = arith.muli %while3A_322, %mul3A_324 : i32
      %get3A = arith.index_cast %mul3A_325 : i32 to index
      %get3A_326 = tpu.vector_load %arg9[%get3A] {strides = array<i32>} : memref<8208xi32, #tpu.memory_space<vmem>>, vector<16xi32>,
      %ge3A = vector.broadcast %add3A_224 : i32 to vector<16xi32>
      %ge3A_327 = arith.cmpi sge, %get3A_326, %ge3A : vector<16xi32>
      %all_reduce_population_count3A = tpu.all_reduce %ge3A_327 {dim = 0 : i64, kind = #tpu.reduction_kind<sum>} : vector<16xi1> -> vector<16xi32>
      %slice3A = vector.extract_strided_slice %all_reduce_population_count3A {offsets = [0], sizes = [1], strides = [1]} : vector<16xi32> to vector<1xi32>
      %squeeze3A = vector.extract %slice3A[0] : i32 from vector<1xi32>
      %add3A_328 = arith.addi %while3A_323, %squeeze3A : i32
      scf.yield %add3A_328 : i32
    }
    %while3A_237 = arith.constant 0 : i32
    %while3A_238 = arith.constant 0 : i32
    %while3A_239 = arith.subi %select_n3A_189, %while3A_237 : i32
    %while3A_240 = arith.addi %while3A_237, %while3A_239 : i32
    %while3A_241 = arith.constant 1 : i32
    %while3A_242 = arith.divsi %while3A_239, %while3A_241 : i32
    %while3A_243 = arith.muli %while3A_242, %while3A_241 : i32
    %while3A_244 = arith.addi %while3A_237, %while3A_243 : i32
    %while3A_245 = arith.constant 1 : i32
    %while3A_246 = scf.for %while3A_322 = %while3A_237 to %while3A_244 step %while3A_245 iter_args(%while3A_323 = %while3A_238) -> (i32)  : i32 {
      %mul3A_324 = arith.constant 16 : i32
      %mul3A_325 = arith.muli %while3A_322, %mul3A_324 : i32
      %get3A = arith.index_cast %mul3A_325 : i32 to index
      %get3A_326 = tpu.vector_load %arg10[%get3A] {strides = array<i32>} : memref<8208xi32, #tpu.memory_space<vmem>>, vector<16xi32>,
      %ge3A = vector.broadcast %add3A_224 : i32 to vector<16xi32>
      %ge3A_327 = arith.cmpi sge, %get3A_326, %ge3A : vector<16xi32>
      %all_reduce_population_count3A = tpu.all_reduce %ge3A_327 {dim = 0 : i64, kind = #tpu.reduction_kind<sum>} : vector<16xi1> -> vector<16xi32>
      %slice3A = vector.extract_strided_slice %all_reduce_population_count3A {offsets = [0], sizes = [1], strides = [1]} : vector<16xi32> to vector<1xi32>
      %squeeze3A = vector.extract %slice3A[0] : i32 from vector<1xi32>
      %add3A_328 = arith.addi %while3A_323, %squeeze3A : i32
      scf.yield %add3A_328 : i32
    }
    %while3A_247 = arith.constant 1 : i32
    %while3A_248 = scf.for %while3A_322 = %while3A_244 to %while3A_240 step %while3A_247 iter_args(%while3A_323 = %while3A_246) -> (i32)  : i32 {
      %mul3A_324 = arith.constant 16 : i32
      %mul3A_325 = arith.muli %while3A_322, %mul3A_324 : i32
      %get3A = arith.index_cast %mul3A_325 : i32 to index
      %get3A_326 = tpu.vector_load %arg10[%get3A] {strides = array<i32>} : memref<8208xi32, #tpu.memory_space<vmem>>, vector<16xi32>,
      %ge3A = vector.broadcast %add3A_224 : i32 to vector<16xi32>
      %ge3A_327 = arith.cmpi sge, %get3A_326, %ge3A : vector<16xi32>
      %all_reduce_population_count3A = tpu.all_reduce %ge3A_327 {dim = 0 : i64, kind = #tpu.reduction_kind<sum>} : vector<16xi1> -> vector<16xi32>
      %slice3A = vector.extract_strided_slice %all_reduce_population_count3A {offsets = [0], sizes = [1], strides = [1]} : vector<16xi32> to vector<1xi32>
      %squeeze3A = vector.extract %slice3A[0] : i32 from vector<1xi32>
      %add3A_328 = arith.addi %while3A_323, %squeeze3A : i32
      scf.yield %add3A_328 : i32
    }
    %add3A_249 = arith.addi %while3A_236, %while3A_248 : i32
    %gt3A_250 = arith.constant 0 : i32
    %gt3A_251 = arith.cmpi sgt, %scan3A_196, %gt3A_250 : i32
    %sub3A_252 = arith.constant 256 : i32
    %sub3A_253 = arith.subi %sub3A_252, %add3A_249 : i32
    %jit3A_254 = arith.constant 0 : i32
    %select_n3A_255 = arith.select %gt3A_251, %sub3A_253, %jit3A_254 : i32
    %add3A_256 = arith.addi %scan3A_12#1, %scan3A_12#3 : i32
    %min3A_257 = arith.constant 256 : i32
    %min3A_258 = arith.minsi %add3A_256, %min3A_257 : i32
    %gt3A_259 = arith.constant 0 : i32
    %gt3A_260 = arith.cmpi sgt, %scan3A_196, %gt3A_259 : i32
    %eq3A_261 = arith.constant 256 : i32
    %eq3A_262 = arith.cmpi eq, %add3A_222, %eq3A_261 : i32
    %convert_element_type3A_263 = arith.extui %eq3A_262 : i1 to i32
    %jit3A_264 = arith.constant 1 : i32
    %select_n3A_265 = arith.select %gt3A_260, %convert_element_type3A_263, %jit3A_264 : i32
    %max3A_266 = arith.constant 1 : i32
    %max3A_267 = arith.maxsi %scan3A_196, %max3A_266 : i32
    %iota3A = tpu.iota {dimensions = array<i32: 0>} : vector<16xi32>
    %eq3A_268 = arith.constant 0 : i32
    %eq3A_269 = vector.broadcast %eq3A_268 : i32 to vector<16xi32>
    %eq3A_270 = arith.cmpi eq, %iota3A, %eq3A_269 : vector<16xi32>
    %eq3A_271 = arith.constant 1 : i32
    %eq3A_272 = vector.broadcast %eq3A_271 : i32 to vector<16xi32>
    %eq3A_273 = arith.cmpi eq, %iota3A, %eq3A_272 : vector<16xi32>
    %eq3A_274 = arith.constant 2 : i32
    %eq3A_275 = vector.broadcast %eq3A_274 : i32 to vector<16xi32>
    %eq3A_276 = arith.cmpi eq, %iota3A, %eq3A_275 : vector<16xi32>
    %eq3A_277 = arith.constant 3 : i32
    %eq3A_278 = vector.broadcast %eq3A_277 : i32 to vector<16xi32>
    %eq3A_279 = arith.cmpi eq, %iota3A, %eq3A_278 : vector<16xi32>
    %eq3A_280 = arith.constant 4 : i32
    %eq3A_281 = vector.broadcast %eq3A_280 : i32 to vector<16xi32>
    %eq3A_282 = arith.cmpi eq, %iota3A, %eq3A_281 : vector<16xi32>
    %eq3A_283 = arith.constant 5 : i32
    %eq3A_284 = vector.broadcast %eq3A_283 : i32 to vector<16xi32>
    %eq3A_285 = arith.cmpi eq, %iota3A, %eq3A_284 : vector<16xi32>
    %eq3A_286 = arith.constant 6 : i32
    %eq3A_287 = vector.broadcast %eq3A_286 : i32 to vector<16xi32>
    %eq3A_288 = arith.cmpi eq, %iota3A, %eq3A_287 : vector<16xi32>
    %eq3A_289 = arith.constant 7 : i32
    %eq3A_290 = vector.broadcast %eq3A_289 : i32 to vector<16xi32>
    %eq3A_291 = arith.cmpi eq, %iota3A, %eq3A_290 : vector<16xi32>
    %eq3A_292 = arith.constant 8 : i32
    %eq3A_293 = vector.broadcast %eq3A_292 : i32 to vector<16xi32>
    %eq3A_294 = arith.cmpi eq, %iota3A, %eq3A_293 : vector<16xi32>
    %eq3A_295 = arith.constant 9 : i32
    %eq3A_296 = vector.broadcast %eq3A_295 : i32 to vector<16xi32>
    %eq3A_297 = arith.cmpi eq, %iota3A, %eq3A_296 : vector<16xi32>
    %jit3A_298 = arith.constant 0 : i32
    %broadcast_in_dim3A_299 = vector.broadcast %select_n3A_265 : i32 to vector<16xi32>
    %broadcast_in_dim3A_300 = vector.broadcast %jit3A_298 : i32 to vector<16xi32>
    %select_n3A_301 = arith.select %eq3A_297, %broadcast_in_dim3A_299, %broadcast_in_dim3A_300 : vector<16xi1>, vector<16xi32>
    %broadcast_in_dim3A_302 = vector.broadcast %select_n3A_136 : i32 to vector<16xi32>
    %select_n3A_303 = arith.select %eq3A_294, %broadcast_in_dim3A_302, %select_n3A_301 : vector<16xi1>, vector<16xi32>
    %broadcast_in_dim3A_304 = vector.broadcast %min3A_258 : i32 to vector<16xi32>
    %select_n3A_305 = arith.select %eq3A_291, %broadcast_in_dim3A_304, %select_n3A_303 : vector<16xi1>, vector<16xi32>
    %broadcast_in_dim3A_306 = vector.broadcast %min3A_131 : i32 to vector<16xi32>
    %select_n3A_307 = arith.select %eq3A_288, %broadcast_in_dim3A_306, %select_n3A_305 : vector<16xi1>, vector<16xi32>
    %broadcast_in_dim3A_308 = vector.broadcast %select_n3A_255 : i32 to vector<16xi32>
    %select_n3A_309 = arith.select %eq3A_285, %broadcast_in_dim3A_308, %select_n3A_307 : vector<16xi1>, vector<16xi32>
    %broadcast_in_dim3A_310 = vector.broadcast %select_n3A_129 : i32 to vector<16xi32>
    %select_n3A_311 = arith.select %eq3A_282, %broadcast_in_dim3A_310, %select_n3A_309 : vector<16xi1>, vector<16xi32>
    %broadcast_in_dim3A_312 = vector.broadcast %scan3A_196 : i32 to vector<16xi32>
    %select_n3A_313 = arith.select %eq3A_279, %broadcast_in_dim3A_312, %select_n3A_311 : vector<16xi1>, vector<16xi32>
    %broadcast_in_dim3A_314 = vector.broadcast %scan3A_72 : i32 to vector<16xi32>
    %select_n3A_315 = arith.select %eq3A_276, %broadcast_in_dim3A_314, %select_n3A_313 : vector<16xi1>, vector<16xi32>
    %broadcast_in_dim3A_316 = vector.broadcast %max3A_267 : i32 to vector<16xi32>
    %select_n3A_317 = arith.select %eq3A_273, %broadcast_in_dim3A_316, %select_n3A_315 : vector<16xi1>, vector<16xi32>
    %broadcast_in_dim3A_318 = vector.broadcast %max3A_137 : i32 to vector<16xi32>
    %select_n3A_319 = arith.select %eq3A_270, %broadcast_in_dim3A_318, %select_n3A_317 : vector<16xi1>, vector<16xi32>
    %swap3A_320 = arith.constant 0 : index
    %swap3A_321 = tpu.vector_load %arg11[%swap3A_320] {strides = array<i32>} : memref<16xi32, #tpu.memory_space<vmem>>, vector<16xi32>,
    tpu.vector_store %arg11[%swap3A_320], %select_n3A_319 {strides = array<i32>} : memref<16xi32, #tpu.memory_space<vmem>>, vector<16xi32>,
    "tpu.region"() ({
      %run_scoped3A = tpu.sem_alloc : memref<!tpu.dma_semaphore, #tpu.memory_space<semaphore_mem>>
      %dma_start3A = arith.constant 0 : i32
      %dma_start3A_322 = tpu.memref_slice %arg4[%add3A, %dma_start3A] : memref<32x16xi32, #tpu.memory_space<hbm>> -> memref<1x16xi32, #tpu.memory_space<hbm>>
      %dma_start3A_323 = tpu.memref_squeeze %dma_start3A_322 : memref<1x16xi32, #tpu.memory_space<hbm>> -> memref<16xi32, #tpu.memory_space<hbm>>
      %dma_start3A_324 = arith.constant 0 : i32
      %dma_start3A_325 = tpu.memref_slice %arg4[%add3A, %dma_start3A_324] : memref<32x16xi32, #tpu.memory_space<hbm>> -> memref<1x16xi32, #tpu.memory_space<hbm>>
      %dma_start3A_326 = tpu.memref_squeeze %dma_start3A_325 : memref<1x16xi32, #tpu.memory_space<hbm>> -> memref<16xi32, #tpu.memory_space<hbm>>
      tpu.enqueue_dma source(%arg11 : memref<16xi32, #tpu.memory_space<vmem>>) target(%dma_start3A_326 : memref<16xi32, #tpu.memory_space<hbm>>) target_semaphore(%run_scoped3A : memref<!tpu.dma_semaphore, #tpu.memory_space<semaphore_mem>>)
      %dma_wait3A = arith.constant 0 : i32
      %dma_wait3A_327 = tpu.memref_slice %arg4[%add3A, %dma_wait3A] : memref<32x16xi32, #tpu.memory_space<hbm>> -> memref<1x16xi32, #tpu.memory_space<hbm>>
      %dma_wait3A_328 = tpu.memref_squeeze %dma_wait3A_327 : memref<1x16xi32, #tpu.memory_space<hbm>> -> memref<16xi32, #tpu.memory_space<hbm>>
      %dma_wait3A_329 = arith.constant 0 : i32
      %dma_wait3A_330 = tpu.memref_slice %arg4[%add3A, %dma_wait3A_329] : memref<32x16xi32, #tpu.memory_space<hbm>> -> memref<1x16xi32, #tpu.memory_space<hbm>>
      %dma_wait3A_331 = tpu.memref_squeeze %dma_wait3A_330 : memref<1x16xi32, #tpu.memory_space<hbm>> -> memref<16xi32, #tpu.memory_space<hbm>>
      tpu.wait_dma2 semaphore(%run_scoped3A : memref<!tpu.dma_semaphore, #tpu.memory_space<semaphore_mem>>) src(%arg11 : memref<16xi32, #tpu.memory_space<vmem>>) dst(%dma_wait3A_331 : memref<16xi32, #tpu.memory_space<hbm>>)
      tpu.yield
    }) : () -> ()
    return
  }
}

module attributes {stable_mosaic.version = 14 : i64} {
  func.func @_stage3_body(%arg0: i32, %arg1: memref<1024x64xi32, #tpu.memory_space<vmem>>, %arg2: memref<1x64xi32, #tpu.memory_space<vmem>>, %arg3: memref<1x64xi32, #tpu.memory_space<vmem>>, %arg4: memref<1x64xi32, #tpu.memory_space<vmem>>, %arg5: memref<1x64xi32, #tpu.memory_space<vmem>>, %arg6: memref<1x64xi32, #tpu.memory_space<vmem>>, %arg7: memref<1x64xf32, #tpu.memory_space<vmem>>, %arg8: memref<1x1xf32, #tpu.memory_space<vmem>>, %arg9: memref<1024x64xf32, #tpu.memory_space<vmem>>, %arg10: memref<1x1xf32, #tpu.memory_space<vmem>>, %arg11: memref<1x64xf32, #tpu.memory_space<vmem>>) attributes {dimension_semantics = [#tpu.dimension_semantics<arbitrary>], iteration_bounds = array<i64: 16>, scalar_prefetch = 0 : i64, scratch_operands = 1 : i64, tpu.core_type = #tpu.core_type<tc>, window_params = [{transform_indices = @transform_0, window_bounds = array<i64: 1024, 64>}, {pipeline_mode = #tpu.pipeline_mode<synchronous>, transform_indices = @transform_1, window_bounds = array<i64: 1, 64>}, {pipeline_mode = #tpu.pipeline_mode<synchronous>, transform_indices = @transform_2, window_bounds = array<i64: 1, 64>}, {pipeline_mode = #tpu.pipeline_mode<synchronous>, transform_indices = @transform_3, window_bounds = array<i64: 1, 64>}, {pipeline_mode = #tpu.pipeline_mode<synchronous>, transform_indices = @transform_4, window_bounds = array<i64: 1, 64>}, {pipeline_mode = #tpu.pipeline_mode<synchronous>, transform_indices = @transform_5, window_bounds = array<i64: 1, 64>}, {pipeline_mode = #tpu.pipeline_mode<synchronous>, transform_indices = @transform_6, window_bounds = array<i64: 1, 64>}, {pipeline_mode = #tpu.pipeline_mode<synchronous>, transform_indices = @transform_7, window_bounds = array<i64: 1, 1>}, {transform_indices = @transform_8, window_bounds = array<i64: 1024, 64>}, {pipeline_mode = #tpu.pipeline_mode<synchronous>, transform_indices = @transform_9, window_bounds = array<i64: 1, 1>}]} {
    %eq3A = arith.constant 0 : i32
    %eq3A_0 = arith.cmpi eq, %arg0, %eq3A : i32
    %convert_element_type3A = arith.extui %eq3A_0 : i1 to i32
    %cond3A = arith.constant 0 : i32
    %cond3A_1 = arith.cmpi ne, %convert_element_type3A, %cond3A : i32
    scf.if %cond3A_1 {
      %broadcast_in_dim3A = arith.constant 0.000000e+00 : f32
      %broadcast_in_dim3A_25 = vector.broadcast %broadcast_in_dim3A : f32 to vector<1x64xf32>
      %swap3A = arith.constant 0 : index
      %swap3A_26 = arith.constant 0 : index
      %swap3A_27 = vector.load %arg11[%swap3A, %swap3A_26] : memref<1x64xf32, #tpu.memory_space<vmem>>, vector<1x64xf32>
      tpu.vector_store %arg11[%swap3A, %swap3A_26], %broadcast_in_dim3A_25 {strides = array<i32>} : memref<1x64xf32, #tpu.memory_space<vmem>>, vector<1x64xf32>,
    } else {
    }
    %get3A = arith.constant 0 : index
    %get3A_2 = arith.constant 0 : index
    %get3A_3 = vector.load %arg1[%get3A, %get3A_2] : memref<1024x64xi32, #tpu.memory_space<vmem>>, vector<1024x64xi32>
    %get3A_4 = arith.constant 0 : index
    %get3A_5 = arith.constant 0 : index
    %get3A_6 = vector.load %arg6[%get3A_4, %get3A_5] : memref<1x64xi32, #tpu.memory_space<vmem>>, vector<1x64xi32>
    %reduce_min3A = vector.shape_cast %get3A_6 : vector<1x64xi32> to vector<1x1x64xi32>
    %reduce_min3A_7 = arith.constant dense<2147483647> : vector<1xi32>
    %reduce_min3A_8 = vector.multi_reduction <minsi>, %reduce_min3A, %reduce_min3A_7 [1, 2] : vector<1x1x64xi32> to vector<1xi32>
    %reduce_min3A_9 = vector.shape_cast %reduce_min3A_8 : vector<1xi32> to vector<1x1x1xi32>
    %reduce_min3A_10 = vector.extract %reduce_min3A_9[0, 0, 0] : i32 from vector<1x1x1xi32>
    %eq3A_11 = arith.constant 1 : i32
    %eq3A_12 = arith.cmpi eq, %reduce_min3A_10, %eq3A_11 : i32
    %convert_element_type3A_13 = arith.extui %eq3A_12 : i1 to i32
    %cond3A_14 = arith.constant 0 : i32
    %cond3A_15 = arith.cmpi ne, %convert_element_type3A_13, %cond3A_14 : i32
    scf.if %cond3A_15 {
      %get3A_25 = arith.constant 0 : index
      %get3A_26 = arith.constant 0 : index
      %get3A_27 = vector.load %arg2[%get3A_25, %get3A_26] : memref<1x64xi32, #tpu.memory_space<vmem>>, vector<1x64xi32>
      %ge3A = vector.broadcast %get3A_27 : vector<1x64xi32> to vector<1024x64xi32>
      %ge3A_28 = arith.cmpi sge, %get3A_3, %ge3A : vector<1024x64xi32>
      %convert_element_type3A_29 = arith.extui %ge3A_28 : vector<1024x64xi1> to vector<1024x64xi32>
      %convert_element_type3A_30 = arith.sitofp %convert_element_type3A_29 : vector<1024x64xi32> to vector<1024x64xf32>
      %swap3A = arith.constant 0 : index
      %swap3A_31 = arith.constant 0 : index
      %swap3A_32 = vector.load %arg9[%swap3A, %swap3A_31] : memref<1024x64xf32, #tpu.memory_space<vmem>>, vector<1024x64xf32>
      tpu.vector_store %arg9[%swap3A, %swap3A_31], %convert_element_type3A_30 {strides = array<i32>} : memref<1024x64xf32, #tpu.memory_space<vmem>>, vector<1024x64xf32>,
    } else {
    }
    %not3A = arith.constant true
    %not3A_16 = arith.xori %eq3A_12, %not3A : i1
    %convert_element_type3A_17 = arith.extui %not3A_16 : i1 to i32
    %cond3A_18 = arith.constant 0 : i32
    %cond3A_19 = arith.cmpi ne, %convert_element_type3A_17, %cond3A_18 : i32
    scf.if %cond3A_19 {
      %get3A_25 = arith.constant 0 : index
      %get3A_26 = arith.constant 0 : index
      %get3A_27 = vector.load %arg3[%get3A_25, %get3A_26] : memref<1x64xi32, #tpu.memory_space<vmem>>, vector<1x64xi32>
      %gt3A = vector.broadcast %get3A_27 : vector<1x64xi32> to vector<1024x64xi32>
      %gt3A_28 = arith.cmpi sgt, %get3A_3, %gt3A : vector<1024x64xi32>
      %eq3A_29 = vector.broadcast %get3A_27 : vector<1x64xi32> to vector<1024x64xi32>
      %eq3A_30 = arith.cmpi eq, %get3A_3, %eq3A_29 : vector<1024x64xi32>
      %gt3A_31 = arith.constant 0 : i32
      %gt3A_32 = vector.broadcast %gt3A_31 : i32 to vector<1x64xi32>
      %gt3A_33 = arith.cmpi sgt, %get3A_27, %gt3A_32 : vector<1x64xi32>
      %and3A = vector.broadcast %gt3A_33 : vector<1x64xi1> to vector<1024x64xi1>
      %and3A_34 = arith.andi %eq3A_30, %and3A : vector<1024x64xi1>
      %convert_element_type3A_35 = arith.extui %and3A_34 : vector<1024x64xi1> to vector<1024x64xi32>
      %convert_element_type3A_36 = arith.sitofp %convert_element_type3A_35 : vector<1024x64xi32> to vector<1024x64xf32>
      %iota3A = tpu.iota {dimensions = array<i32: 0>} : vector<1024x1024xi32>
      %iota3A_37 = tpu.iota {dimensions = array<i32: 1>} : vector<1024x1024xi32>
      %gt3A_38 = arith.cmpi sgt, %iota3A, %iota3A_37 : vector<1024x1024xi32>
      %convert_element_type3A_39 = arith.extui %gt3A_38 : vector<1024x1024xi1> to vector<1024x1024xi32>
      %convert_element_type3A_40 = arith.sitofp %convert_element_type3A_39 : vector<1024x1024xi32> to vector<1024x1024xf32>
      %dot_general3A = arith.constant dense<0.000000e+00> : vector<1024x64xf32>
      %dot_general3A_41 = tpu.matmul %convert_element_type3A_40, %convert_element_type3A_36, %dot_general3A {dimension_numbers = #tpu.dot_dimension_numbers<[1], [0], [0], [1], [0, 0, 1, 1], [], []>, transpose_lhs_hint = false} : vector<1024x1024xf32>, vector<1024x64xf32>, vector<1024x64xf32> -> vector<1024x64xf32>
      %get3A_42 = arith.constant 0 : index
      %get3A_43 = arith.constant 0 : index
      %get3A_44 = vector.load %arg11[%get3A_42, %get3A_43] : memref<1x64xf32, #tpu.memory_space<vmem>>, vector<1x64xf32>
      %add3A = vector.broadcast %get3A_44 : vector<1x64xf32> to vector<1024x64xf32>
      %add3A_45 = arith.addf %add3A, %dot_general3A_41 : vector<1024x64xf32>
      %get3A_46 = arith.constant 0 : index
      %get3A_47 = arith.constant 0 : index
      %get3A_48 = vector.load %arg4[%get3A_46, %get3A_47] : memref<1x64xi32, #tpu.memory_space<vmem>>, vector<1x64xi32>
      %convert_element_type3A_49 = arith.sitofp %get3A_48 : vector<1x64xi32> to vector<1x64xf32>
      %lt3A = vector.broadcast %convert_element_type3A_49 : vector<1x64xf32> to vector<1024x64xf32>
      %lt3A_50 = arith.cmpf olt, %add3A_45, %lt3A : vector<1024x64xf32>
      %and3A_51 = arith.andi %and3A_34, %lt3A_50 : vector<1024x64xi1>
      %or3A = arith.ori %gt3A_28, %and3A_51 : vector<1024x64xi1>
      %convert_element_type3A_52 = arith.extui %or3A : vector<1024x64xi1> to vector<1024x64xi32>
      %convert_element_type3A_53 = arith.sitofp %convert_element_type3A_52 : vector<1024x64xi32> to vector<1024x64xf32>
      %swap3A = arith.constant 0 : index
      %swap3A_54 = arith.constant 0 : index
      %swap3A_55 = vector.load %arg9[%swap3A, %swap3A_54] : memref<1024x64xf32, #tpu.memory_space<vmem>>, vector<1024x64xf32>
      tpu.vector_store %arg9[%swap3A, %swap3A_54], %convert_element_type3A_53 {strides = array<i32>} : memref<1024x64xf32, #tpu.memory_space<vmem>>, vector<1024x64xf32>,
      %get3A_56 = arith.constant 0 : index
      %get3A_57 = arith.constant 0 : index
      %get3A_58 = vector.load %arg11[%get3A_56, %get3A_57] : memref<1x64xf32, #tpu.memory_space<vmem>>, vector<1x64xf32>
      %reduce_sum3A = arith.constant dense<0.000000e+00> : vector<64xf32>
      %reduce_sum3A_59 = vector.multi_reduction <add>, %convert_element_type3A_36, %reduce_sum3A [0] : vector<1024x64xf32> to vector<64xf32>
      %broadcast_in_dim3A = vector.shape_cast %reduce_sum3A_59 : vector<64xf32> to vector<1x64xf32>
      %add3A_60 = arith.addf %get3A_58, %broadcast_in_dim3A : vector<1x64xf32>
      %swap3A_61 = arith.constant 0 : index
      %swap3A_62 = arith.constant 0 : index
      %swap3A_63 = vector.load %arg11[%swap3A_61, %swap3A_62] : memref<1x64xf32, #tpu.memory_space<vmem>>, vector<1x64xf32>
      tpu.vector_store %arg11[%swap3A_61, %swap3A_62], %add3A_60 {strides = array<i32>} : memref<1x64xf32, #tpu.memory_space<vmem>>, vector<1x64xf32>,
    } else {
    }
    %eq3A_20 = arith.constant 15 : i32
    %eq3A_21 = arith.cmpi eq, %arg0, %eq3A_20 : i32
    %convert_element_type3A_22 = arith.extui %eq3A_21 : i1 to i32
    %cond3A_23 = arith.constant 0 : i32
    %cond3A_24 = arith.cmpi ne, %convert_element_type3A_22, %cond3A_23 : i32
    scf.if %cond3A_24 {
      %get3A_25 = arith.constant 0 : index
      %get3A_26 = arith.constant 0 : index
      %get3A_27 = vector.load %arg5[%get3A_25, %get3A_26] : memref<1x64xi32, #tpu.memory_space<vmem>>, vector<1x64xi32>
      %convert_element_type3A_28 = arith.sitofp %get3A_27 : vector<1x64xi32> to vector<1x64xf32>
      %div3A = arith.constant 1.638400e+04 : f32
      %div3A_29 = vector.broadcast %div3A : f32 to vector<1x64xf32>
      %div3A_30 = arith.divf %convert_element_type3A_28, %div3A_29 : vector<1x64xf32>
      %get3A_31 = arith.constant 0 : index
      %get3A_32 = arith.constant 0 : index
      %get3A_33 = vector.load %arg7[%get3A_31, %get3A_32] : memref<1x64xf32, #tpu.memory_space<vmem>>, vector<1x64xf32>
      %div3A_34 = arith.constant 1.638400e+04 : f32
      %div3A_35 = vector.broadcast %div3A_34 : f32 to vector<1x64xf32>
      %div3A_36 = arith.divf %get3A_33, %div3A_35 : vector<1x64xf32>
      %mul3A = arith.mulf %div3A_30, %div3A_36 : vector<1x64xf32>
      %reduce_sum3A = vector.shape_cast %mul3A : vector<1x64xf32> to vector<1x1x64xf32>
      %reduce_sum3A_37 = arith.constant dense<0.000000e+00> : vector<1xf32>
      %reduce_sum3A_38 = vector.multi_reduction <add>, %reduce_sum3A, %reduce_sum3A_37 [1, 2] : vector<1x1x64xf32> to vector<1xf32>
      %reduce_sum3A_39 = vector.shape_cast %reduce_sum3A_38 : vector<1xf32> to vector<1x1x1xf32>
      %reduce_sum3A_40 = vector.extract %reduce_sum3A_39[0, 0, 0] : f32 from vector<1x1x1xf32>
      %mul3A_41 = arith.constant 0.00999999977 : f32
      %mul3A_42 = arith.mulf %mul3A_41, %reduce_sum3A_40 : f32
      %mul3A_43 = arith.constant 6.400000e+01 : f32
      %mul3A_44 = arith.mulf %mul3A_42, %mul3A_43 : f32
      %get3A_45 = arith.constant 0 : index
      %get3A_46 = arith.constant 0 : index
      %get3A_47 = vector.load %arg8[%get3A_45, %get3A_46] : memref<1x1xf32, #tpu.memory_space<vmem>>, vector<1x1xf32>
      %mul3A_48 = arith.constant 1.000000e-03 : f32
      %mul3A_49 = vector.broadcast %mul3A_48 : f32 to vector<1x1xf32>
      %mul3A_50 = arith.mulf %mul3A_49, %get3A_47 : vector<1x1xf32>
      %div3A_51 = arith.constant 1.638400e+04 : f32
      %div3A_52 = vector.broadcast %div3A_51 : f32 to vector<1x1xf32>
      %div3A_53 = arith.divf %mul3A_50, %div3A_52 : vector<1x1xf32>
      %add3A = vector.broadcast %mul3A_44 : f32 to vector<1x1xf32>
      %add3A_54 = arith.addf %add3A, %div3A_53 : vector<1x1xf32>
      %swap3A = arith.constant 0 : index
      %swap3A_55 = arith.constant 0 : index
      %swap3A_56 = vector.load %arg10[%swap3A, %swap3A_55] : memref<1x1xf32, #tpu.memory_space<vmem>>, vector<1x1xf32>
      tpu.vector_store %arg10[%swap3A, %swap3A_55], %add3A_54 {strides = array<i32>} : memref<1x1xf32, #tpu.memory_space<vmem>>, vector<1x1xf32>,
    } else {
    }
    return
  }
  func.func @transform_0(%arg0: i32) -> (i32, i32) {
    %c0_i32 = arith.constant 0 : i32
    %c0_i32_0 = arith.constant 0 : i32
    return %arg0, %c0_i32 : i32, i32
  }
  func.func @transform_1(%arg0: i32) -> (i32, i32) {
    %c0_i32 = arith.constant 0 : i32
    %c0_i32_0 = arith.constant 0 : i32
    %c0_i32_1 = arith.constant 0 : i32
    return %c0_i32, %c0_i32_0 : i32, i32
  }
  func.func @transform_2(%arg0: i32) -> (i32, i32) {
    %c0_i32 = arith.constant 0 : i32
    %c0_i32_0 = arith.constant 0 : i32
    %c0_i32_1 = arith.constant 0 : i32
    return %c0_i32, %c0_i32_0 : i32, i32
  }
  func.func @transform_3(%arg0: i32) -> (i32, i32) {
    %c0_i32 = arith.constant 0 : i32
    %c0_i32_0 = arith.constant 0 : i32
    %c0_i32_1 = arith.constant 0 : i32
    return %c0_i32, %c0_i32_0 : i32, i32
  }
  func.func @transform_4(%arg0: i32) -> (i32, i32) {
    %c0_i32 = arith.constant 0 : i32
    %c0_i32_0 = arith.constant 0 : i32
    %c0_i32_1 = arith.constant 0 : i32
    return %c0_i32, %c0_i32_0 : i32, i32
  }
  func.func @transform_5(%arg0: i32) -> (i32, i32) {
    %c0_i32 = arith.constant 0 : i32
    %c0_i32_0 = arith.constant 0 : i32
    %c0_i32_1 = arith.constant 0 : i32
    return %c0_i32, %c0_i32_0 : i32, i32
  }
  func.func @transform_6(%arg0: i32) -> (i32, i32) {
    %c0_i32 = arith.constant 0 : i32
    %c0_i32_0 = arith.constant 0 : i32
    %c0_i32_1 = arith.constant 0 : i32
    return %c0_i32, %c0_i32_0 : i32, i32
  }
  func.func @transform_7(%arg0: i32) -> (i32, i32) {
    %c0_i32 = arith.constant 0 : i32
    %c0_i32_0 = arith.constant 0 : i32
    %c0_i32_1 = arith.constant 0 : i32
    return %c0_i32, %c0_i32_0 : i32, i32
  }
  func.func @transform_8(%arg0: i32) -> (i32, i32) {
    %c0_i32 = arith.constant 0 : i32
    %c0_i32_0 = arith.constant 0 : i32
    return %arg0, %c0_i32 : i32, i32
  }
  func.func @transform_9(%arg0: i32) -> (i32, i32) {
    %c0_i32 = arith.constant 0 : i32
    %c0_i32_0 = arith.constant 0 : i32
    %c0_i32_1 = arith.constant 0 : i32
    return %c0_i32, %c0_i32_0 : i32, i32
  }
}

module attributes {stable_mosaic.version = 14 : i64} {
  func.func @_stage1_body(%arg0: i32, %arg1: memref<1024x4096xf32, #tpu.memory_space<vmem>>, %arg2: memref<64x4096xf32, #tpu.memory_space<vmem>>, %arg3: memref<1024x64xi32, #tpu.memory_space<vmem>>, %arg4: memref<1x1x1024xi32, #tpu.memory_space<vmem>>, %arg5: memref<1x1x1024xi32, #tpu.memory_space<vmem>>, %arg6: memref<1x64xf32, #tpu.memory_space<vmem>>, %arg7: memref<1x1xf32, #tpu.memory_space<vmem>>) attributes {dimension_semantics = [#tpu.dimension_semantics<arbitrary>], iteration_bounds = array<i64: 16>, scalar_prefetch = 0 : i64, scratch_operands = 0 : i64, tpu.core_type = #tpu.core_type<tc>, window_params = [{transform_indices = @transform_0, window_bounds = array<i64: 1024, 4096>}, {pipeline_mode = #tpu.pipeline_mode<synchronous>, transform_indices = @transform_1, window_bounds = array<i64: 64, 4096>}, {transform_indices = @transform_2, window_bounds = array<i64: 1024, 64>}, {transform_indices = @transform_3, window_bounds = array<i64: 1, 1, 1024>}, {transform_indices = @transform_4, window_bounds = array<i64: 1, 1, 1024>}, {pipeline_mode = #tpu.pipeline_mode<synchronous>, transform_indices = @transform_5, window_bounds = array<i64: 1, 64>}, {pipeline_mode = #tpu.pipeline_mode<synchronous>, transform_indices = @transform_6, window_bounds = array<i64: 1, 1>}]} {
    %get3A = arith.constant 0 : index
    %get3A_0 = arith.constant 0 : index
    %get3A_1 = vector.load %arg1[%get3A, %get3A_0] : memref<1024x4096xf32, #tpu.memory_space<vmem>>, vector<1024x4096xf32>
    %get3A_2 = arith.constant 0 : index
    %get3A_3 = arith.constant 0 : index
    %get3A_4 = vector.load %arg2[%get3A_2, %get3A_3] : memref<64x4096xf32, #tpu.memory_space<vmem>>, vector<64x4096xf32>
    %dot_general3A = arith.constant dense<0.000000e+00> : vector<1024x64xf32>
    %dot_general3A_5 = tpu.matmul %get3A_1, %get3A_4, %dot_general3A {dimension_numbers = #tpu.dot_dimension_numbers<[1], [1], [0], [0], [0, 0, 1, 0], [], []>, transpose_lhs_hint = false} : vector<1024x4096xf32>, vector<64x4096xf32>, vector<1024x64xf32> -> vector<1024x64xf32>
    %reduce_max3A = arith.constant dense<0xFF800000> : vector<1024xf32>
    %reduce_max3A_6 = vector.multi_reduction <maximumf>, %dot_general3A_5, %reduce_max3A [1] : vector<1024x64xf32> to vector<1024xf32>
    %broadcast_in_dim3A = vector.shape_cast %reduce_max3A_6 : vector<1024xf32> to vector<1024x1xf32>
    %sub3A = vector.broadcast %broadcast_in_dim3A : vector<1024x1xf32> to vector<1024x64xf32>
    %sub3A_7 = arith.subf %dot_general3A_5, %sub3A : vector<1024x64xf32>
    %exp3A = math.exp %sub3A_7 : vector<1024x64xf32>
    %reduce_sum3A = arith.constant dense<0.000000e+00> : vector<1024xf32>
    %reduce_sum3A_8 = vector.multi_reduction <add>, %exp3A, %reduce_sum3A [1] : vector<1024x64xf32> to vector<1024xf32>
    %broadcast_in_dim3A_9 = vector.shape_cast %reduce_sum3A_8 : vector<1024xf32> to vector<1024x1xf32>
    %div3A = vector.broadcast %broadcast_in_dim3A_9 : vector<1024x1xf32> to vector<1024x64xf32>
    %div3A_10 = arith.divf %exp3A, %div3A : vector<1024x64xf32>
    %argmax3A = tpu.reduce_index %div3A_10 {axis = 1 : i32, kind = #tpu.reduction_kind<arg_max>} : vector<1024x64xf32> -> vector<1024xi32>
    %reduce_max3A_11 = arith.constant dense<0xFF800000> : vector<1024xf32>
    %reduce_max3A_12 = vector.multi_reduction <maximumf>, %div3A_10, %reduce_max3A_11 [1] : vector<1024x64xf32> to vector<1024xf32>
    %bitcast_convert_type3A = tpu.bitcast %reduce_max3A_12 : vector<1024xf32> -> vector<1024xi32>
    %sub3A_13 = arith.constant 1006632960 : i32
    %sub3A_14 = vector.broadcast %sub3A_13 : i32 to vector<1024xi32>
    %sub3A_15 = arith.subi %bitcast_convert_type3A, %sub3A_14 : vector<1024xi32>
    %max3A = arith.constant 1 : i32
    %max3A_16 = vector.broadcast %max3A : i32 to vector<1024xi32>
    %max3A_17 = arith.maxsi %sub3A_15, %max3A_16 : vector<1024xi32>
    %broadcast_in_dim3A_18 = vector.shape_cast %argmax3A : vector<1024xi32> to vector<1024x1xi32>
    %iota3A = tpu.iota {dimensions = array<i32: 1>} : vector<1x64xi32>
    %eq3A = vector.broadcast %broadcast_in_dim3A_18 : vector<1024x1xi32> to vector<1024x64xi32>
    %eq3A_19 = vector.broadcast %iota3A : vector<1x64xi32> to vector<1024x64xi32>
    %eq3A_20 = arith.cmpi eq, %eq3A, %eq3A_19 : vector<1024x64xi32>
    %broadcast_in_dim3A_21 = vector.shape_cast %max3A_17 : vector<1024xi32> to vector<1024x1xi32>
    %jit3A = arith.constant 0 : i32
    %broadcast_in_dim3A_22 = vector.shape_cast %broadcast_in_dim3A_21 : vector<1024x1xi32> to vector<1024x1xi32>
    %broadcast_in_dim3A_23 = vector.broadcast %broadcast_in_dim3A_22 : vector<1024x1xi32> to vector<1024x64xi32>
    %broadcast_in_dim3A_24 = vector.broadcast %jit3A : i32 to vector<1024x64xi32>
    %select_n3A = arith.select %eq3A_20, %broadcast_in_dim3A_23, %broadcast_in_dim3A_24 : vector<1024x64xi1>, vector<1024x64xi32>
    %swap3A = arith.constant 0 : index
    %swap3A_25 = arith.constant 0 : index
    %swap3A_26 = vector.load %arg3[%swap3A, %swap3A_25] : memref<1024x64xi32, #tpu.memory_space<vmem>>, vector<1024x64xi32>
    tpu.vector_store %arg3[%swap3A, %swap3A_25], %select_n3A {strides = array<i32>} : memref<1024x64xi32, #tpu.memory_space<vmem>>, vector<1024x64xi32>,
    %swap3A_27 = arith.constant 0 : index
    %swap3A_28 = arith.constant 0 : index
    %swap3A_29 = arith.constant 0 : index
    %swap3A_30 = vector.load %arg4[%swap3A_27, %swap3A_28, %swap3A_29] : memref<1x1x1024xi32, #tpu.memory_space<vmem>>, vector<1x1x1024xi32>
    %swap3A_31 = vector.shape_cast %swap3A_30 : vector<1x1x1024xi32> to vector<1024xi32>
    %swap3A_32 = vector.shape_cast %argmax3A : vector<1024xi32> to vector<1x1x1024xi32>
    tpu.vector_store %arg4[%swap3A_27, %swap3A_28, %swap3A_29], %swap3A_32 {strides = array<i32>} : memref<1x1x1024xi32, #tpu.memory_space<vmem>>, vector<1x1x1024xi32>,
    %swap3A_33 = arith.constant 0 : index
    %swap3A_34 = arith.constant 0 : index
    %swap3A_35 = arith.constant 0 : index
    %swap3A_36 = vector.load %arg5[%swap3A_33, %swap3A_34, %swap3A_35] : memref<1x1x1024xi32, #tpu.memory_space<vmem>>, vector<1x1x1024xi32>
    %swap3A_37 = vector.shape_cast %swap3A_36 : vector<1x1x1024xi32> to vector<1024xi32>
    %swap3A_38 = vector.shape_cast %max3A_17 : vector<1024xi32> to vector<1x1x1024xi32>
    tpu.vector_store %arg5[%swap3A_33, %swap3A_34, %swap3A_35], %swap3A_38 {strides = array<i32>} : memref<1x1x1024xi32, #tpu.memory_space<vmem>>, vector<1x1x1024xi32>,
    %eq3A_39 = arith.constant 0 : i32
    %eq3A_40 = arith.cmpi eq, %arg0, %eq3A_39 : i32
    %convert_element_type3A = arith.extui %eq3A_40 : i1 to i32
    %cond3A = arith.constant 0 : i32
    %cond3A_41 = arith.cmpi ne, %convert_element_type3A, %cond3A : i32
    scf.if %cond3A_41 {
      %broadcast_in_dim3A_65 = arith.constant 0.000000e+00 : f32
      %broadcast_in_dim3A_66 = vector.broadcast %broadcast_in_dim3A_65 : f32 to vector<1x64xf32>
      %swap3A_67 = arith.constant 0 : index
      %swap3A_68 = arith.constant 0 : index
      %swap3A_69 = vector.load %arg6[%swap3A_67, %swap3A_68] : memref<1x64xf32, #tpu.memory_space<vmem>>, vector<1x64xf32>
      tpu.vector_store %arg6[%swap3A_67, %swap3A_68], %broadcast_in_dim3A_66 {strides = array<i32>} : memref<1x64xf32, #tpu.memory_space<vmem>>, vector<1x64xf32>,
      %broadcast_in_dim3A_70 = arith.constant 0.000000e+00 : f32
      %broadcast_in_dim3A_71 = vector.broadcast %broadcast_in_dim3A_70 : f32 to vector<1x1xf32>
      %swap3A_72 = arith.constant 0 : index
      %swap3A_73 = arith.constant 0 : index
      %swap3A_74 = vector.load %arg7[%swap3A_72, %swap3A_73] : memref<1x1xf32, #tpu.memory_space<vmem>>, vector<1x1xf32>
      tpu.vector_store %arg7[%swap3A_72, %swap3A_73], %broadcast_in_dim3A_71 {strides = array<i32>} : memref<1x1xf32, #tpu.memory_space<vmem>>, vector<1x1xf32>,
    } else {
    }
    %get3A_42 = arith.constant 0 : index
    %get3A_43 = arith.constant 0 : index
    %get3A_44 = vector.load %arg6[%get3A_42, %get3A_43] : memref<1x64xf32, #tpu.memory_space<vmem>>, vector<1x64xf32>
    %reduce_sum3A_45 = arith.constant dense<0.000000e+00> : vector<64xf32>
    %reduce_sum3A_46 = vector.multi_reduction <add>, %div3A_10, %reduce_sum3A_45 [0] : vector<1024x64xf32> to vector<64xf32>
    %broadcast_in_dim3A_47 = vector.shape_cast %reduce_sum3A_46 : vector<64xf32> to vector<1x64xf32>
    %add3A = arith.addf %get3A_44, %broadcast_in_dim3A_47 : vector<1x64xf32>
    %swap3A_48 = arith.constant 0 : index
    %swap3A_49 = arith.constant 0 : index
    %swap3A_50 = vector.load %arg6[%swap3A_48, %swap3A_49] : memref<1x64xf32, #tpu.memory_space<vmem>>, vector<1x64xf32>
    tpu.vector_store %arg6[%swap3A_48, %swap3A_49], %add3A {strides = array<i32>} : memref<1x64xf32, #tpu.memory_space<vmem>>, vector<1x64xf32>,
    %squeeze3A = vector.shape_cast %broadcast_in_dim3A : vector<1024x1xf32> to vector<1024xf32>
    %squeeze3A_51 = vector.shape_cast %broadcast_in_dim3A_9 : vector<1024x1xf32> to vector<1024xf32>
    %log3A = math.log %squeeze3A_51 : vector<1024xf32>
    %add3A_52 = arith.addf %squeeze3A, %log3A : vector<1024xf32>
    %get3A_53 = arith.constant 0 : index
    %get3A_54 = arith.constant 0 : index
    %get3A_55 = vector.load %arg7[%get3A_53, %get3A_54] : memref<1x1xf32, #tpu.memory_space<vmem>>, vector<1x1xf32>
    %mul3A = arith.mulf %add3A_52, %add3A_52 : vector<1024xf32>
    %reduce_sum3A_56 = vector.shape_cast %mul3A : vector<1024xf32> to vector<1x1024xf32>
    %reduce_sum3A_57 = arith.constant dense<0.000000e+00> : vector<1xf32>
    %reduce_sum3A_58 = vector.multi_reduction <add>, %reduce_sum3A_56, %reduce_sum3A_57 [1] : vector<1x1024xf32> to vector<1xf32>
    %reduce_sum3A_59 = vector.shape_cast %reduce_sum3A_58 : vector<1xf32> to vector<1x1xf32>
    %reduce_sum3A_60 = vector.extract %reduce_sum3A_59[0, 0] : f32 from vector<1x1xf32>
    %reshape3A = vector.broadcast %reduce_sum3A_60 : f32 to vector<1x1xf32>
    %add3A_61 = arith.addf %get3A_55, %reshape3A : vector<1x1xf32>
    %swap3A_62 = arith.constant 0 : index
    %swap3A_63 = arith.constant 0 : index
    %swap3A_64 = vector.load %arg7[%swap3A_62, %swap3A_63] : memref<1x1xf32, #tpu.memory_space<vmem>>, vector<1x1xf32>
    tpu.vector_store %arg7[%swap3A_62, %swap3A_63], %add3A_61 {strides = array<i32>} : memref<1x1xf32, #tpu.memory_space<vmem>>, vector<1x1xf32>,
    return
  }
  func.func @transform_0(%arg0: i32) -> (i32, i32) {
    %c0_i32 = arith.constant 0 : i32
    %c0_i32_0 = arith.constant 0 : i32
    return %arg0, %c0_i32 : i32, i32
  }
  func.func @transform_1(%arg0: i32) -> (i32, i32) {
    %c0_i32 = arith.constant 0 : i32
    %c0_i32_0 = arith.constant 0 : i32
    %c0_i32_1 = arith.constant 0 : i32
    return %c0_i32, %c0_i32_0 : i32, i32
  }
  func.func @transform_2(%arg0: i32) -> (i32, i32) {
    %c0_i32 = arith.constant 0 : i32
    %c0_i32_0 = arith.constant 0 : i32
    return %arg0, %c0_i32 : i32, i32
  }
  func.func @transform_3(%arg0: i32) -> (i32, i32, i32) {
    %c0_i32 = arith.constant 0 : i32
    %c0_i32_0 = arith.constant 0 : i32
    %c0_i32_1 = arith.constant 0 : i32
    return %arg0, %c0_i32, %c0_i32_0 : i32, i32, i32
  }
  func.func @transform_4(%arg0: i32) -> (i32, i32, i32) {
    %c0_i32 = arith.constant 0 : i32
    %c0_i32_0 = arith.constant 0 : i32
    %c0_i32_1 = arith.constant 0 : i32
    return %arg0, %c0_i32, %c0_i32_0 : i32, i32, i32
  }
  func.func @transform_5(%arg0: i32) -> (i32, i32) {
    %c0_i32 = arith.constant 0 : i32
    %c0_i32_0 = arith.constant 0 : i32
    %c0_i32_1 = arith.constant 0 : i32
    return %c0_i32, %c0_i32_0 : i32, i32
  }
  func.func @transform_6(%arg0: i32) -> (i32, i32) {
    %c0_i32 = arith.constant 0 : i32
    %c0_i32_0 = arith.constant 0 : i32
    %c0_i32_1 = arith.constant 0 : i32
    return %c0_i32, %c0_i32_0 : i32, i32
  }
}

</mosaic_0001>

<sc_bundles>
// kernel: kernel.5.cloned.1.call-start
scs
__scs_entry_jumppad:
0x0: {  	(pc) =	sbr.rel $0x88, $3  }
0x1: {  	(tag) =	ssettag $0x0;
	lr =	simm.s32 $0x1  }
0x2: {  	[smem:$0x3F9F] =	sst lr;
	_ =	strace $0xD0000000  }
0x3: {  	_ = 	snop  }
0x4: {  	_ = 	snop  }
0x5: {  	_ = 	snop  }
0x6: {  	_ = 	snop  }
0x7: {  	_ = 	snop  }
__scs_overlays_trampoline_lowered:
0x8: {  	[smem:$0x3FAE] =	sst s0  }
0x9: {  	[smem:$0x3FAF] =	sst s1  }
0xa: {  	[smem:$0x3FB0] =	sst s2  }
0xb: {  	[smem:$0x3FB1] =	sst s3  }
0xc: {  	[smem:$0x3FB2] =	sst s4  }
0xd: {  	[smem:$0x3FB3] =	sst s5  }
0xe: {  	[smem:$0x3FB4] =	sst s6  }
0xf: {  	[smem:$0x3FB5] =	sst s7  }
0x10: {  	[smem:$0x3FB6] =	sst s8  }
0x11: {  	[smem:$0x3FB7] =	sst s9;
	s0 =	simm.s32 @!p0 $0x0  }
0x12: {  	s1 =	sld [smem:$0x3F9D];
	s0 =	simm.s32 @p0 $0x1  }
0x13: {  	[smem:$0x3FB8] =	sst s0;
	s0 =	simm.s32 @!p1 $0x0  }
0x14: {  	s2 =	sld [smem:$0x3F9C];
	s0 =	simm.s32 @p1 $0x1  }
0x15: {  	[smem:$0x3FB9] =	sst s0;
	s0 =	simm.s32 @!p2 $0x0  }
0x16: {  	s3 =	sld [smem:$0x3FDB];
	s0 =	simm.s32 @p2 $0x1  }
0x17: {  	s4 =	simm.s32 $0x1BF5;
	[smem:$0x3FBB] =	sst s0  }
0x18: {  	s0 =	sld [smem:$0x3F9E];
	_ =	swait.ge [sflag:s4], $0x0  }
0x19: {  	s7 =	sld [smem:$0x3F9F]  }
0x1a: {  	s8 =	sadd.s32 $0xFFFFE003, lr  }
0x1b: {  	s9 =	sadd.s32 $0xFFFFFEF7, lr;
	s5 =	simm.s32 $0xFFFFFFFF;
	p2 =	slt.u32 s8, $0xFFFFF086  }
0x1c: {  	p1 =	slt.u32 s9, $0xF7A;
	s5 =	simm.s32 @!p2 $0x0  }
0x1d: {  	s5 =	simm.s32 @p1 $0x1;
	p0 =	seq.s32 s7, s2  }
0x1e: {  	s7 =	smul.u32 @!p0 $0xF7A, s2;
	p2 =	seq.s32 @!p0 s5, $0x0  }
0x1f: {  	s9 =	smul.u32 $0xF7A, s1;
	s8 =	simm.s32 @!p0 $0x1BF5;
	p2 =	por !p2, p0  }
0x20: {  	[sflag:s8] =	ssyncset.s32 @!p0 $0xFFFFF086;
	s6 =	sadd.s32 @!p0 s3, s7;
	s7 =	simm.s32 @!p0 $0x108  }
0x21: {  	s3 =	sadd.s32 s3, s9;
	s6 =	sadd.s32 @!p0 $0x88, s6;
	s7 =	simm.s32 @p2 $0x1082  }
0x22: {  	[simem:s7], [sflag:s8] =	dma.local @!p0 [hbm:s6], $0xF7A  }
0x23: {  	s9 =	sor.u32 $0xD0000000, s2;
	s6 =	simm.s32 $0x108;
	_ =	swait.ge @!p0 [sflag:s8], $0x0  }
0x24: {  	s3 =	sadd.s32 $0x88, s3;
	s6 =	simm.s32 @!p1 $0x1082;
	[sflag:s4] =	ssyncset.s32 $0xFFFFF086  }
0x25: {  	[simem:s6], [sflag:s4] =	dma.local [hbm:s3], $0xF7A  }
0x26: {  	[smem:$0x3F9F] =	sst s1;
	(tag) =	ssettag s2;
	_ =	strace s9  }
0x27: {  	s1 =	sld [smem:$0x3FAF]  }
0x28: {  	s2 =	sld [smem:$0x3FB0]  }
0x29: {  	s4 =	sld [smem:$0x3FB2]  }
0x2a: {  	p0 =	seq.s32 s5, $0x0;
	s5 =	sld [smem:$0x3FB3]  }
0x2b: {  	s6 =	sld [smem:$0x3FB4]  }
0x2c: {  	s7 =	sld [smem:$0x3FB5]  }
0x2d: {  	s3 =	simm.s32 $0x108;
	s8 =	sld [smem:$0x3FB6]  }
0x2e: {  	s3 =	simm.s32 @!p0 $0x1082;
	s9 =	sld [smem:$0x3FB7]  }
0x2f: {  	lr =	sadd.s32 s0, s3;
	s0 =	sld [smem:$0x3FAE]  }
0x30: {  	s3 =	sld [smem:$0x3FB1]  }
0x31: {  	[smem:$0x3FBA] =	sst s10  }
0x32: {  	s10 =	sld [smem:$0x3FB8];
	_ =	sdelay $0x3  }
0x33: {  	p0 =	seq.s32 s10, $0x1;
	s10 =	sld [smem:$0x3FBA];
	_ =	sdelay $0x3  }
0x34: {  	[smem:$0x3FBA] =	sst s10  }
0x35: {  	s10 =	sld [smem:$0x3FB9];
	_ =	sdelay $0x3  }
0x36: {  	p1 =	seq.s32 s10, $0x1;
	s10 =	sld [smem:$0x3FBA];
	_ =	sdelay $0x3  }
0x37: {  	[smem:$0x3FBA] =	sst s10  }
0x38: {  	s10 =	sld [smem:$0x3FBB]  }
0x39: {  	_ = 	snop;
	(pc) =	sbr.ind lr, $3  }
0x3a: {  	_ = 	snop  }
0x3b: {  	_ = 	snop  }
0x3c: {  	p2 =	seq.s32 s10, $0x1;
	s10 =	sld [smem:$0x3FBA]  }
0x3d: {  	_ =	shalt  }
0x3e: {  	_ =	shalt  }
0x3f: {  	_ =	shalt  }
0x40: {  	_ =	shalt  }
0x41: {  	_ =	shalt  }
0x42: {  	_ =	shalt  }
0x43: {  	_ =	shalt  }
0x44: {  	_ =	shalt  }
0x45: {  	_ =	shalt  }
0x46: {  	_ =	shalt  }
0x47: {  	_ =	shalt  }
0x48: {  	_ =	shalt  }
0x49: {  	_ =	shalt  }
0x4a: {  	_ =	shalt  }
0x4b: {  	_ =	shalt  }
0x4c: {  	_ =	shalt  }
0x4d: {  	_ =	shalt  }
0x4e: {  	_ =	shalt  }
0x4f: {  	_ =	shalt  }
0x50: {  	_ =	shalt  }
0x51: {  	_ =	shalt  }
0x52: {  	_ =	shalt  }
0x53: {  	_ =	shalt  }
0x54: {  	_ =	shalt  }
0x55: {  	_ =	shalt  }
0x56: {  	_ =	shalt  }
0x57: {  	_ =	shalt  }
0x58: {  	_ =	shalt  }
0x59: {  	_ =	shalt  }
0x5a: {  	_ =	shalt  }
0x5b: {  	_ =	shalt  }
0x5c: {  	_ =	shalt  }
0x5d: {  	_ =	shalt  }
0x5e: {  	_ =	shalt  }
0x5f: {  	_ =	shalt  }
0x60: {  	_ =	shalt  }
0x61: {  	_ =	shalt  }
0x62: {  	_ =	shalt  }
0x63: {  	_ =	shalt  }
0x64: {  	_ =	shalt  }
0x65: {  	_ =	shalt  }
0x66: {  	_ =	shalt  }
0x67: {  	_ =	shalt  }
0x68: {  	_ =	shalt  }
0x69: {  	_ =	shalt  }
0x6a: {  	_ =	shalt  }
0x6b: {  	_ =	shalt  }
0x6c: {  	_ =	shalt  }
0x6d: {  	_ =	shalt  }
0x6e: {  	_ =	shalt  }
0x6f: {  	_ =	shalt  }
0x70: {  	_ =	shalt  }
0x71: {  	_ =	shalt  }
0x72: {  	_ =	shalt  }
0x73: {  	_ =	shalt  }
0x74: {  	_ =	shalt  }
0x75: {  	_ =	shalt  }
0x76: {  	_ =	shalt  }
0x77: {  	_ =	shalt  }
0x78: {  	_ =	shalt  }
0x79: {  	_ =	shalt  }
0x7a: {  	_ =	shalt  }
0x7b: {  	_ =	shalt  }
0x7c: {  	_ =	shalt  }
0x7d: {  	_ =	shalt  }
0x7e: {  	_ =	shalt  }
0x7f: {  	_ =	shalt  }
0x80: {  	_ =	shalt  }
0x81: {  	_ =	shalt  }
0x82: {  	_ =	shalt  }
0x83: {  	_ =	shalt  }
0x84: {  	_ =	shalt  }
0x85: {  	_ =	shalt  }
0x86: {  	_ =	shalt  }
0x87: {  	_ =	shalt  }
.Lfunc_end0:
.L_simem_size_0:
called_computation_lowered:
.L_overlay_start_0:
0x88: {  	s2 =	sld [smem:$0x3FD9]  }
0x89: {  	s3 =	sld [smem:$0x3FFE];
	_ =	sdelay $0x1  }
0x8a: {  	s1 =	srdreg.scid  }
0x8b: {  	s0 =	sand.u32 $0x1, s1  }
0x8c: {  	s14 =	sshll.u32 s0, $0xA;
	s2 =	sadd.s32 s3, s2  }
0x8d: {  	s2 =	sadd.s32 s2, s14  }
0x8e: {  	[smem:$0x3FC6] =	sst s2  }
0x8f: {  	_ = 	snop  }
0x90: {  	s2 =	sld [smem:$0x3FD0];
	_ =	sdelay $0x2  }
0x91: {  	s15 =	simm.s32 $0xA;
	s4 =	simm.s32 $0x10  }
0x92: {  	[smem:s4], [sflag:s15] =	dma.local [hbm:s2], $0x1  }
0x93: {  	_ =	swait.eq [sflag:s15], $0x1  }
0x94: {  	[sflag:s15] =	ssyncset.done $0x0  }
0x95: {  	s16 =	sld [smem:$0x10];
	[sflag:s15] =	ssyncadd.s32 $0xFFFFFFFF  }
0x96: {  	s17 =	sld [smem:$0x11];
	(tm) =	ssettm $0x1  }
0x97: {  	s18 =	sld [smem:$0x3FFB];
	_ =	sdelay $0x3  }
0x98: {  	_ =	strace s18  }
0x99: {  	s4 =	sld [smem:$0x3FFC];
	_ =	sdelay $0x3  }
0x9a: {  	_ =	strace s4  }
0x9b: {  	s4 =	sld [smem:$0x3FFD];
	_ =	sdelay $0x3  }
0x9c: {  	_ =	strace s4  }
0x9d: {  	_ =	strace $0x8FFFFFFF  }
0x9e: {  	s19 =	sld [smem:$0x3FDB];
	_ =	sdelay $0x1  }
0x9f: {  	s5 =	simm.s32 $_scs_section_size  }
0xa0: {  	s6 =	simm.s32 $_size__tile_overlayer_lowered;
	s7 =	simm.s32 $_tile_overlayer_lowered  }
0xa1: {  	s22 =	simm.s32 $0x1BFF;
	s21 =	sshll.u32 s7, $0x1;
	s4 =	sadd.s32 s5, s19  }
0xa2: {  	s8 =	simm.s32 $0x0;
	s20 =	sshll.u32 s6, $0x1;
	s6 =	sadd.s32 s21, s4  }
0xa3: {  	[timem:s8], [sflag:s22] =	dma.local [hbm:s6], s20  }
0xa4: {  	_ =	swait.ge [sflag:s22], s20  }
0xa5: {  	s5 =	ssub.s32 $0x0, s20;
	[sflag:s22] =	ssyncset.done $0x0  }
0xa6: {  	[sflag:s22] =	ssyncadd.s32 s5;
	_ =	sdelay $0x1  }
0xa7: {  	s23 =	simm.s32 $0x1B8B  }
0xa8: {  	_ =	swait.ge [sflag:s23], $0x1  }
0xa9: {  	[sflag:s23] =	ssyncset.done $0x0  }
0xaa: {  	s25 =	simm.s32 $0x1B8E;
	s24 =	sld [smem:$0x3FFE];
	[sflag:s23] =	ssyncadd.s32 $0xFFFFFFFF  }
0xab: {  	s26 =	simm.s32 $execute0_lowered;
	[smem:$0x3FD2] =	sst s25  }
0xac: {  	s6 =	sshll.u32 s26, $0x1;
	_ =	strace $0x80000046;
	[dreg:$0x1] =	wrdreg $0xFFFFFFFF  }
0xad: {  	s28 =	simm.s32 $_size_execute0_lowered;
	s4 =	sadd.s32 s4, s6;
	[dreg:$0x0] =	wrdreg $0x0  }
0xae: {  	s6 =	sshll.u32 s28, $0x1;
	[dreg:$0x2] =	wrdreg s4  }
0xaf: {  	[dreg:$0x3] =	wrdreg s6  }
0xb0: {  	[dreg:$0x4] =	wrdreg $0xC0  }
0xb1: {  	_ =	task [dreg:s8], $0x5FFFF  }
0xb2: {  	[dreg:$0x1] =	wrdreg $0xFFFFFFFF  }
0xb3: {  	[dreg:$0x0] =	wrdreg $0x60  }
0xb4: {  	[dreg:$0x2] =	wrdreg s17  }
0xb5: {  	[dreg:$0x3] =	wrdreg s16  }
0xb6: {  	[dreg:$0x4] =	wrdreg s24  }
0xb7: {  	[dreg:$0x5] =	wrdreg $0x9  }
0xb8: {  	_ =	task.clear_ibuf [dreg:s8], $0x6FFFF;
	_ =	strace $0x90000046  }
0xb9: {  	s29 =	simm.s32 $0x9;
	_ =	strace $0x80000048  }
0xba: {  	_ =	swait.ge [sflag:s29], $0x1  }
0xbb: {  	[sflag:s29] =	ssyncadd.s32 $0xFFFFFFFF  }
0xbc: {  	_ =	strace $0x90000048  }
0xbd: {  	_ =	sfence  }
0xbe: {  	s30 =	sld [smem:$0x0];
	_ =	sdelay $0x2  }
0xbf: {  	s31 =	sshll.u32 s1, $0xD;
	s1 =	sshrl.u32 s1, $0x2  }
0xc0: {  	s3 =	sand.u32 $0x4000, s31;
	s1 =	sadd.s32 s1, s30  }
0xc1: {  	s0 =	sor.u32 s3, s0;
	s1 =	sshll.u32 s1, $0x11  }
0xc2: {  	s0 =	sor.u32 s1, s0  }
0xc3: {  	s0 =	sadd.s32 $0x8F2B, s0  }
0xc4: {  	[sflag:s0] =	ssyncadd.remote.s32 $0x1  }
0xc5: {  	_ =	sfence.sel $0xFFFF  }
0xc6: {  	[dreg:$0x0] =	wrdreg $0xFFFFFFFF;
	(pc) =	sbr.abs _section_cstart, $3  }
0xc7: {  	[dreg:$0x1] =	wrdreg $0xFFFFFFFF  }
0xc8: {  	_ =	task.clear_ibuf [dreg:s8], $0x2FFFF;
	_ =	strace $0x9FFFFFFF  }
0xc9: {  	(tm) =	ssettm $0x7FFFFFFF  }
tec
execute0_lowered:
.L_overlay_start_1:
0x0: {  	(tag) =	ssettag $0x1  }
0x1: {  	s2 =	rddreg [dreg:$0x0]  }
0x2: {  	s3 =	rddreg [dreg:$0x1]  }
0x3: {  	s0 =	srdreg.scid;
	s5 =	rddreg [dreg:$0x2]  }
0x4: {  	s1 =	stileid.u32;
	s4 =	simm.s32 $0x0;
	s10 =	simm.s32 $0x10200  }
0x5: {  	s11 =	simm.s32 $0x0;
	s6 =	sand.u32 $0x1, s0;
	s0 =	rddreg [dreg:$0x3]  }
0x6: {  	s7 =	sshll.u32 s1, $0x4;
	[smem:$0x7FF] =	sst s4;
	s8 =	sshll.u32 s6, $0x4  }
0x7: {  	s7 =	sand.u32 $0x70, s7;
	s6 =	ssub.s32 $0x2, s6;
	_ =	strace $0x80000047  }
.Ltmp0:
0x8: {  	v2 =	vimm.s32 $0x0;
	s8 =	sor.u32 s1, s8;
	s5 =	sadd.s32 s7, s5;
	(pc) =	sbr.rel .LBB2_1-.Ltmp0, $4  }
0x9: {  	vm0 =	vcmask $0x300;
	vm1 =	vcmask $0x704;
	vm2 =	vcmask $0xB08;
	s31 =	sshrl.u32 s6, $0x1;
	s7 =	simm.s32 $0x1;
	s9 =	sshll.u32 s8, $0x4  }
0xa: {  	vm3 =	vcmask $0xF0C;
	vm4 =	vcmask $0x1310;
	vm5 =	vcmask $0x1714;
	s29 =	sshll.u32 s8, $0x1;
	s6 =	ssub.s32 s6, s31;
	s30 =	sand.u32 $0x180, s9  }
0xb: {  	vm6 =	vcmask $0x1B18;
	vm7 =	vcmask $0x1F1C;
	vm8 =	vcmask $0x2320;
	s8 =	sshllo.u32 s8, $0x1;
	s6 =	smax.u32 s6, $0x1;
	s5 =	sadd.s32 s30, s5  }
0xc: {  	vm9 =	vcmask $0x2724;
	v0 =	vmov s29;
	v1 =	vmov s8;
	s8 =	simm.s32 $0x4000;
	s9 =	simm.s32 $0x2000000;
	s5 =	sadd.s32 $0x41200, s5  }
.LBB2_132:
0xd: {  	s21 =	simm.s32 $0x0  }
.LBB2_150:
0xe: {  	v3 =	vmpcnt.ones.xlane vm10;
	_ =	sdelay $0x1  }
0xf: {  	(v2sf) =	vpush v3, $0x0;
	_ =	sdelay $0x9  }
0x10: {  	s21 =	sadd.s32 @p2 s21, s25;
	s25 =	spop @p1 (v2sf);
	s28 =	simm.s32 $0x0  }
0x11: {  	s25 =	smov.u32 @p1 s25;
	s28 =	smov.u32 @p2 s21  }
0x12: {  	s21 =	sadd.s32 @p1 s28, s25;
	s28 =	simm.s32 $0x0;
	s25 =	spop @p0 (v2sf)  }
0x13: {  	s28 =	smov.u32 @p1 s21;
	s25 =	smov.u32 @p0 s25  }
0x14: {  	s21 =	sadd.s32 @p0 s28, s25  }
0x15: {  	s22 =	smov.u32 @p0 s21;
	s31 =	spop (v2sf)  }
0x16: {  	s25 =	sadd.s32 s22, s31  }
.LBB2_151:
0x17: {  	p0 =	sgt.s32 s16, $0x1;
	s21 =	smov.u32 s16  }
0x18: {  	s21 =	simm.s32 @!p0 $0x1  }
0x19: {  	p0 =	sgt.s32 s20, $0x1;
	v3 =	vmov s21;
	s21 =	smov.u32 s20  }
0x1a: {  	s17 =	sadd.s32 s17, s18;
	s21 =	simm.s32 @!p0 $0x1;
	v3 =	vnsel vm0, $0x0, v3  }
0x1b: {  	s13 =	sadd.s32 s13, s14;
	s30 =	sadd.s32 s25, s26;
	s17 =	ssub.s32 $0x100, s17;
	v3 =	vsel vm1, s21, v3  }
0x1c: {  	p1 =	slt.s32 s13, $0x100;
	s14 =	ssub.s32 $0x100, s30;
	p0 =	slt.s32 s16, $0x1;
	v3 =	vsel vm2, s16, v3  }
0x1d: {  	s13 =	simm.s32 @!p1 $0x100;
	p1 =	slt.s32 s20, $0x1;
	s17 =	simm.s32 @p0 $0x0;
	v3 =	vsel vm3, s20, v3  }
0x1e: {  	p2 =	seq.s32 s19, $0x100;
	s12 =	sadd.s32 s12, s15;
	s14 =	simm.s32 @p1 $0x0;
	v3 =	vsel vm4, s17, v3  }
0x1f: {  	s31 =	sadd.s32 s24, s23;
	p0 =	por p0, p2;
	p2 =	slt.s32 s12, $0x100;
	v3 =	vsel vm5, s14, v3  }
0x20: {  	p6 =	seq.s32 s31, $0x100;
	s12 =	simm.s32 @!p2 $0x100;
	s14 =	simm.s32 $0x1;
	v3 =	vsel vm6, s13, v3  }
0x21: {  	s14 =	simm.s32 @!p0 $0x0;
	p0 =	por p1, p6;
	s13 =	simm.s32 $0x1;
	v3 =	vsel vm7, s12, v3  }
0x22: {  	s11 =	sadd.s32 $0x1, s11;
	s13 =	simm.s32 @!p0 $0x0;
	v3 =	vsel vm8, s14, v3  }
0x23: {  	p0 =	sne.s32 s11, s6;
	v3 =	vsel vm9, s13, v3  }
.Ltmp1:
0x24: {  	[tilespmem:$0x10200] =	vst v3;
	(pc) =	sbr.rel @!p0 .LBB2_152-.Ltmp1, $4  }
0x25: {  	[hbm4b:s5+s4] =	stream.linear.scatter [tilespmem:s10], [sflag:$0x1], $0x80, $0x38;
	[tilespmem:$0x10280] =	vst v63  }
0x26: {  	_ =	swait.ge [sflag:s7], $0x80  }
0x27: {  	[sflag:s7] =	ssyncset.done $0x0  }
0x28: {  	[sflag:s7] =	ssyncadd.s32 $0xFFFFFF80  }
.LBB2_1:
0x29: {  	[tilespmem:s4], [sflag:$0x1] =	stream.linear.gather [hbm4b:s2+s4], $0x4000, $0x38;
	[tilespmem:$0x10280] =	vst v63  }
0x2a: {  	_ =	swait.ge [sflag:s7], $0x4000  }
0x2b: {  	[sflag:s7] =	ssyncset.done $0x0  }
0x2c: {  	[sflag:s7] =	ssyncadd.s32 $0xFFFFC000  }
0x2d: {  	[tilespmem:s8], [sflag:$0x1] =	stream.linear.gather [hbm4b:s3+s4], $0x4000, $0x38;
	[tilespmem:$0x10280] =	vst v63  }
0x2e: {  	_ =	swait.ge [sflag:s7], $0x4000  }
0x2f: {  	[sflag:s7] =	ssyncset.done $0x0  }
0x30: {  	s12 =	simm.s32 $0x0;
	[sflag:s7] =	ssyncadd.s32 $0xFFFFC000  }
0x31: {  	v3 =	vld [tilespmem:s12+$0x0];
	_ =	sdelay $0x4  }
0x32: {  	vm10 =	veq.s32 v3, v0  }
0x33: {  	v5 =	vld [tilespmem:s12+$0x4000];
	v4 =	vmpcnt.ones.xlane vm10  }
0x34: {  	v6 =	vld [tilespmem:s12+$0x2000]  }
0x35: {  	(v2sf) =	vpush v4, $0x0;
	v4 =	vld [tilespmem:s12+$0x6000];
	_ =	sdelay $0x2  }
0x36: {  	vm11 =	veq.s32 v3, v1;
	[tilespmem:s4+$0x8000] =	vst.msk vm10, v5  }
0x37: {  	vm10 =	veq.s32 v6, v0;
	[tilespmem:s4+$0xC100] =	vst.msk vm11, v5  }
0x38: {  	vm12 =	veq.s32 v6, v1;
	[tilespmem:s4+$0xA080] =	vst.msk vm10, v4  }
0x39: {  	[tilespmem:s4+$0xE180] =	vst.msk vm12, v4;
	v4 =	vmpcnt.ones.xlane vm11  }
0x3a: {  	v6 =	vmpcnt.ones.xlane vm10  }
0x3b: {  	v7 =	vmpcnt.ones.xlane vm12;
	(v2sf) =	vpush v4, $0x0  }
0x3c: {  	(v2sf) =	vpush v6, $0x0  }
0x3d: {  	(v2sf) =	vpush v7, $0x0;
	_ =	sdelay $0x1  }
0x3e: {  	s31 =	simm.s32 $0x10  }
0x3f: {  	v3 =	vld [tilespmem:s31+$0x0];
	_ =	sdelay $0x1  }
0x40: {  	v5 =	vld [tilespmem:s31+$0x2000];
	_ =	sdelay $0x2  }
0x41: {  	vm13 =	veq.s32 v3, v0  }
0x42: {  	v4 =	vld [tilespmem:s31+$0x4000];
	vm12 =	veq.s32 v3, v1;
	v8 =	vmpcnt.ones.xlane vm13  }
0x43: {  	s16 =	simm.s32 $0x80;
	s13 =	simm.s32 $0x0;
	s14 =	simm.s32 $0x0;
	vm11 =	veq.s32 v5, v0;
	vm10 =	veq.s32 v5, v1;
	v7 =	vmpcnt.ones.xlane vm12  }
0x44: {  	s15 =	simm.s32 $0x0;
	s12 =	simm.s32 $0x0;
	v3 =	vld [tilespmem:s31+$0x6000];
	v6 =	vmpcnt.ones.xlane vm11;
	v5 =	vmpcnt.ones.xlane vm10;
	s17 =	spop (v2sf);
	(v2sf) =	vpush v8, $0x0  }
.LBB2_2:
0x45: {  	s13 =	sadd.s32 s13, s17  }
0x46: {  	(v2sf) =	vpush v7, $0x0;
	s17 =	spop (v2sf);
	s18 =	smov.u32 s16;
	s19 =	sadd.s32 $0x40, s16  }
0x47: {  	p0 =	sne.s32 s16, $0x7FC0;
	[tilespmem:s13+$0x8000] =	vst.msk vm13, v4;
	(v2sf) =	vpush v6, $0x0;
	s14 =	sadd.s32 s14, s17;
	s16 =	spop (v2sf)  }
0x48: {  	[tilespmem:s14+$0xC100] =	vst.msk vm12, v4;
	(v2sf) =	vpush v5, $0x0;
	s15 =	sadd.s32 s15, s16;
	s16 =	spop (v2sf)  }
0x49: {  	[tilespmem:s15+$0xA080] =	vst.msk vm11, v3;
	s12 =	sadd.s32 s12, s16  }
0x4a: {  	[tilespmem:s12+$0xE180] =	vst.msk vm10, v3  }
0x4b: {  	s16 =	sshra.s32 s18, $0x2  }
0x4c: {  	v3 =	vld [tilespmem:s16+$0x0]  }
0x4d: {  	v5 =	vld [tilespmem:s16+$0x2000];
	_ =	sdelay $0x2  }
.Ltmp2:
0x4e: {  	(pc) =	sbr.rel @p0 .LBB2_2-.Ltmp2, $4  }
0x4f: {  	v4 =	vld [tilespmem:s16+$0x4000];
	vm13 =	veq.s32 v3, v0;
	vm12 =	veq.s32 v3, v1  }
0x50: {  	vm11 =	veq.s32 v5, v0;
	vm10 =	veq.s32 v5, v1;
	v8 =	vmpcnt.ones.xlane vm13  }
0x51: {  	v7 =	vmpcnt.ones.xlane vm12;
	v3 =	vld [tilespmem:s16+$0x6000];
	v6 =	vmpcnt.ones.xlane vm11  }
0x52: {  	v5 =	vmpcnt.ones.xlane vm10;
	s16 =	smov.u32 s19;
	(v2sf) =	vpush v8, $0x0;
	s17 =	spop (v2sf)  }
0x53: {  	(v2sf) =	vpush v7, $0x0  }
0x54: {  	(v2sf) =	vpush v6, $0x0;
	_ =	sdelay $0x1  }
0x55: {  	(v2sf) =	vpush v5, $0x0;
	_ =	sdelay $0x7  }
0x56: {  	s16 =	spop (v2sf)  }
0x57: {  	s18 =	spop (v2sf)  }
0x58: {  	s17 =	sadd.s32 s13, s17;
	s19 =	spop (v2sf)  }
0x59: {  	s16 =	sadd.s32 s14, s16;
	s15 =	sadd.s32 s15, s18;
	s20 =	spop (v2sf)  }
0x5a: {  	s18 =	simm.s32 $0x1;
	s21 =	spop (v2sf);
	s13 =	sadd.s32 s17, s20  }
0x5b: {  	s19 =	sadd.s32 s12, s19;
	s22 =	spop (v2sf);
	s23 =	sadd.s32 $0xF, s13  }
0x5c: {  	[tilespmem:s17+$0x8000] =	vst.msk vm13, v4;
	s12 =	sadd.s32 s16, s21;
	s14 =	sadd.s32 s15, s22;
	s24 =	sand.u32 $0xF, s23  }
0x5d: {  	[tilespmem:s16+$0xC100] =	vst.msk vm12, v4;
	s26 =	sshra.s32 s23, $0x1F;
	p2 =	slt.s32 s23, $0x1;
	s30 =	spop (v2sf)  }
0x5e: {  	[tilespmem:s15+$0xA080] =	vst.msk vm11, v3;
	s22 =	sadd.s32 $0xF, s14;
	p0 =	sne.s32 s24, $0x0;
	s28 =	sshrl.u32 s26, $0x1C  }
0x5f: {  	[tilespmem:s19+$0xE180] =	vst.msk vm10, v3;
	s15 =	sadd.s32 s19, s30;
	s19 =	simm.s32 $0x1;
	s25 =	sand.u32 $0xF, s22  }
0x60: {  	p0 =	por !p2, !p0;
	p6 =	slt.s32 s22, $0x1;
	s29 =	sadd.s32 s28, s23  }
0x61: {  	s31 =	sshra.s32 s22, $0x1F;
	p1 =	sne.s32 s25, $0x0;
	s16 =	sshra.s32 s29, $0x4  }
.Ltmp3:
0x62: {  	s17 =	sshrl.u32 s31, $0x1C;
	p1 =	por !p6, !p1;
	(pc) =	sbr.rel .LBB2_4-.Ltmp3, $4  }
0x63: {  	[tilespmem:s13+$0x8000] =	vst v2;
	p0 =	por !p0, !p0;
	s17 =	sadd.s32 s17, s22;
	p1 =	por !p1, !p1  }
0x64: {  	[tilespmem:s12+$0xC100] =	vst v2;
	s18 =	simm.s32 @!p0 $0x0;
	s17 =	sshra.s32 s17, $0x4;
	s19 =	simm.s32 @!p1 $0x0  }
0x65: {  	[tilespmem:s14+$0xA080] =	vst v2;
	s20 =	ssub.s32 s16, s18;
	s16 =	simm.s32 $0x0;
	s19 =	ssub.s32 s17, s19  }
0x66: {  	[tilespmem:s15+$0xE180] =	vst v2;
	p1 =	slt.s32 s20, $0x1;
	s17 =	simm.s32 $0x0;
	p0 =	slt.s32 s19, $0x1  }
.LBB2_12:
0x67: {  	s23 =	simm.s32 $0x0  }
.LBB2_30:
0x68: {  	v3 =	vmpcnt.ones.xlane vm10;
	_ =	sdelay $0x1  }
0x69: {  	(v2sf) =	vpush v3, $0x0;
	_ =	sdelay $0x9  }
0x6a: {  	s23 =	sadd.s32 @p4 s23, s24;
	s24 =	spop @p3 (v2sf);
	s25 =	simm.s32 $0x0  }
0x6b: {  	s24 =	smov.u32 @p3 s24;
	s25 =	smov.u32 @p4 s23  }
0x6c: {  	s23 =	sadd.s32 @p3 s25, s24;
	s25 =	simm.s32 $0x0;
	s24 =	spop @p2 (v2sf)  }
0x6d: {  	s25 =	smov.u32 @p3 s23;
	s24 =	smov.u32 @p2 s24  }
0x6e: {  	s23 =	sadd.s32 @p2 s25, s24  }
0x6f: {  	s22 =	smov.u32 @p2 s23;
	s31 =	spop (v2sf)  }
0x70: {  	s22 =	sadd.s32 s22, s31  }
.LBB2_31:
0x71: {  	s17 =	sadd.s32 $0x1, s17  }
0x72: {  	p3 =	seq.s32 s17, $0x1A  }
.Ltmp4:
0x73: {  	_ = 	snop;
	(pc) =	sbr.rel @p3 .LBB2_7-.Ltmp4, $4  }
0x74: {  	_ = 	snop  }
0x75: {  	s21 =	sadd.s32 s21, s22  }
0x76: {  	p2 =	sgt.s32 s21, $0xFF  }
0x77: {  	s16 =	smov.u32 @p2 s18  }
.LBB2_4:
.Ltmp5:
0x78: {  	(pc) =	sbr.rel @p1 .LBB2_10-.Ltmp5, $4  }
0x79: {  	_ = 	snop  }
0x7a: {  	s18 =	sshrl.u32 s9, s17  }
0x7b: {  	s18 =	sor.u32 s18, s16  }
0x7c: {  	s21 =	simm.s32 $0x0;
	v3 =	vmov s18  }
0x7d: {  	s22 =	simm.s32 $0x8000  }
0x7e: {  	p5 =	seq.s32 s20, $0x1;
	v4 =	vld [tilespmem:s22+$0x0]  }
.Ltmp6:
0x7f: {  	_ = 	snop;
	(pc) =	sbr.rel @p5 .LBB2_6-.Ltmp6, $3  }
0x80: {  	_ =	sdelay $0x1  }
0x81: {  	s21 =	simm.s32 $0x0;
	s23 =	simm.s32 $0x8010;
	p2 =	por $0x0, $0x0  }
0x82: {  	p3 =	por $0x0, $0x0;
	p4 =	por $0x0, $0x0;
	s22 =	sadd.s32 $0xFFFFFFFF, s20;
	vm10 =	vge.s32 v4, v3  }
0x83: {  	v4 =	vld [tilespmem:s23+$0x0];
	p5 =	seq.s32 s22, $0x1  }
.Ltmp7:
0x84: {  	_ = 	snop;
	(pc) =	sbr.rel @p5 .LBB2_14-.Ltmp7, $3  }
0x85: {  	_ = 	snop  }
0x86: {  	v5 =	vmpcnt.ones.xlane vm10;
	_ =	sdelay $0x1  }
0x87: {  	s22 =	sadd.s32 $0xFFFFFFFF, s22;
	s23 =	simm.s32 $0x8020;
	p2 =	por $0x1, $0x1;
	(v2sf) =	vpush v5, $0x0;
	vm10 =	vge.s32 v4, v3  }
0x88: {  	v5 =	vmpcnt.ones.xlane vm10;
	_ =	sdelay $0x1  }
0x89: {  	(v2sf) =	vpush v5, $0x0;
	_ =	sdelay $0x3  }
0x8a: {  	v4 =	vld [tilespmem:s23+$0x0];
	p5 =	seq.s32 s22, $0x1  }
.Ltmp8:
0x8b: {  	_ = 	snop;
	(pc) =	sbr.rel @p5 .LBB2_16-.Ltmp8, $2  }
0x8c: {  	_ =	sdelay $0x2  }
0x8d: {  	s22 =	sadd.s32 $0xFFFFFFFF, s22;
	s23 =	simm.s32 $0x8030;
	p3 =	por $0x1, $0x1;
	vm10 =	vge.s32 v4, v3  }
0x8e: {  	v5 =	vmpcnt.ones.xlane vm10;
	_ =	sdelay $0x1  }
0x8f: {  	(v2sf) =	vpush v5, $0x0;
	_ =	sdelay $0x2  }
0x90: {  	v4 =	vld [tilespmem:s23+$0x0];
	p5 =	seq.s32 s22, $0x1  }
.Ltmp9:
0x91: {  	_ = 	snop;
	(pc) =	sbr.rel @p5 .LBB2_18-.Ltmp9, $3  }
0x92: {  	_ =	sdelay $0x1  }
0x93: {  	s24 =	sadd.s32 $0xFFFFFFFF, s22;
	s25 =	simm.s32 $0x8040  }
0x94: {  	p4 =	por $0x1, $0x1;
	s22 =	simm.s32 $0x0;
	s23 =	spop (v2sf);
	vm10 =	vge.s32 v4, v3  }
.LBB2_19:
0x95: {  	v4 =	vld [tilespmem:s25+$0x0];
	p5 =	seq.s32 s24, $0x1;
	s24 =	sadd.s32 $0xFFFFFFFF, s24;
	v5 =	vmpcnt.ones.xlane vm10;
	s22 =	sadd.s32 s22, s23  }
.Ltmp10:
0x96: {  	(pc) =	sbr.rel @!p5 .LBB2_19-.Ltmp10, $2  }
0x97: {  	(v2sf) =	vpush v5, $0x0;
	_ =	sdelay $0x3  }
0x98: {  	s25 =	sadd.s32 $0x10, s25;
	vm10 =	vge.s32 v4, v3;
	s23 =	spop (v2sf)  }
0x99: {  	_ = 	snop  }
.LBB2_21:
0x9a: {  	v4 =	vmpcnt.ones.xlane vm10;
	_ =	sdelay $0x1  }
0x9b: {  	(v2sf) =	vpush v4, $0x0;
	_ =	sdelay $0x9  }
0x9c: {  	s22 =	sadd.s32 @p4 s22, s23;
	s23 =	spop @p3 (v2sf);
	s24 =	simm.s32 $0x0  }
0x9d: {  	s23 =	smov.u32 @p3 s23;
	s24 =	smov.u32 @p4 s22  }
0x9e: {  	s22 =	sadd.s32 @p3 s24, s23;
	s24 =	simm.s32 $0x0;
	s23 =	spop @p2 (v2sf)  }
0x9f: {  	s24 =	smov.u32 @p3 s22;
	s23 =	smov.u32 @p2 s23  }
0xa0: {  	s22 =	sadd.s32 @p2 s24, s23  }
0xa1: {  	s21 =	smov.u32 @p2 s22;
	s31 =	spop (v2sf)  }
0xa2: {  	s21 =	sadd.s32 s21, s31  }
.LBB2_10:
.Ltmp11:
0xa3: {  	(pc) =	sbr.rel @p0 .LBB2_31-.Ltmp11, $2  }
0xa4: {  	_ =	sdelay $0x2  }
0xa5: {  	s22 =	simm.s32 $0x0  }
0xa6: {  	s23 =	simm.s32 $0xA080  }
0xa7: {  	p5 =	sne.s32 s19, $0x1;
	v4 =	vld [tilespmem:s23+$0x0]  }
.Ltmp12:
0xa8: {  	_ = 	snop;
	(pc) =	sbr.rel @!p5 .LBB2_12-.Ltmp12, $3  }
0xa9: {  	_ =	sdelay $0x1  }
0xaa: {  	s24 =	simm.s32 $0xA090;
	p2 =	por $0x0, $0x0  }
0xab: {  	p3 =	por $0x0, $0x0;
	p4 =	por $0x0, $0x0;
	s23 =	sadd.s32 $0xFFFFFFFF, s19;
	vm10 =	vge.s32 v4, v3  }
0xac: {  	v4 =	vld [tilespmem:s24+$0x0];
	p5 =	sne.s32 s23, $0x1  }
.Ltmp13:
0xad: {  	v5 =	vmpcnt.ones.xlane vm10;
	(pc) =	sbr.rel @!p5 .LBB2_23-.Ltmp13, $3  }
0xae: {  	_ = 	snop  }
0xaf: {  	(v2sf) =	vpush v5, $0x0;
	_ =	sdelay $0x1  }
0xb0: {  	s23 =	sadd.s32 $0xFFFFFFFF, s23;
	s24 =	simm.s32 $0xA0A0;
	p2 =	por $0x1, $0x1;
	vm10 =	vge.s32 v4, v3  }
0xb1: {  	v5 =	vmpcnt.ones.xlane vm10;
	_ =	sdelay $0x1  }
0xb2: {  	(v2sf) =	vpush v5, $0x0;
	_ =	sdelay $0x3  }
0xb3: {  	v4 =	vld [tilespmem:s24+$0x0];
	p5 =	sne.s32 s23, $0x1  }
.Ltmp14:
0xb4: {  	_ = 	snop;
	(pc) =	sbr.rel @!p5 .LBB2_25-.Ltmp14, $2  }
0xb5: {  	_ =	sdelay $0x2  }
0xb6: {  	s23 =	sadd.s32 $0xFFFFFFFF, s23;
	s24 =	simm.s32 $0xA0B0;
	p3 =	por $0x1, $0x1;
	vm10 =	vge.s32 v4, v3  }
0xb7: {  	v5 =	vmpcnt.ones.xlane vm10;
	_ =	sdelay $0x1  }
0xb8: {  	(v2sf) =	vpush v5, $0x0;
	_ =	sdelay $0x2  }
0xb9: {  	v4 =	vld [tilespmem:s24+$0x0];
	p5 =	sne.s32 s23, $0x1  }
.Ltmp15:
0xba: {  	_ = 	snop;
	(pc) =	sbr.rel @!p5 .LBB2_27-.Ltmp15, $3  }
0xbb: {  	_ =	sdelay $0x1  }
0xbc: {  	s25 =	sadd.s32 $0xFFFFFFFF, s23;
	s26 =	simm.s32 $0xA0C0  }
0xbd: {  	s24 =	spop (v2sf);
	p4 =	por $0x1, $0x1;
	s23 =	simm.s32 $0x0;
	vm10 =	vge.s32 v4, v3  }
.LBB2_28:
0xbe: {  	v4 =	vld [tilespmem:s26+$0x0];
	p5 =	sne.s32 s25, $0x1;
	s25 =	sadd.s32 $0xFFFFFFFF, s25;
	v5 =	vmpcnt.ones.xlane vm10;
	s23 =	sadd.s32 s23, s24  }
.Ltmp16:
0xbf: {  	(pc) =	sbr.rel @p5 .LBB2_28-.Ltmp16, $2  }
0xc0: {  	(v2sf) =	vpush v5, $0x0;
	_ =	sdelay $0x3  }
0xc1: {  	s26 =	sadd.s32 $0x10, s26;
	vm10 =	vge.s32 v4, v3;
	s24 =	spop (v2sf)  }
.Ltmp17:
0xc2: {  	(pc) =	sbr.rel .LBB2_30-.Ltmp17, $1  }
0xc3: {  	_ =	sdelay $0x3  }
.LBB2_6:
.Ltmp18:
0xc4: {  	(pc) =	sbr.rel .LBB2_21-.Ltmp18, $2  }
0xc5: {  	_ =	sdelay $0x2  }
0xc6: {  	s22 =	simm.s32 $0x0  }
.LBB2_14:
.Ltmp19:
0xc7: {  	(pc) =	sbr.rel .LBB2_21-.Ltmp19, $2  }
0xc8: {  	_ =	sdelay $0x2  }
0xc9: {  	s22 =	simm.s32 $0x0  }
.LBB2_23:
.Ltmp20:
0xca: {  	(pc) =	sbr.rel .LBB2_30-.Ltmp20, $2  }
0xcb: {  	_ =	sdelay $0x2  }
0xcc: {  	s23 =	simm.s32 $0x0  }
.LBB2_16:
.Ltmp21:
0xcd: {  	(pc) =	sbr.rel .LBB2_21-.Ltmp21, $2  }
0xce: {  	_ =	sdelay $0x2  }
0xcf: {  	s22 =	simm.s32 $0x0  }
.LBB2_25:
.Ltmp22:
0xd0: {  	(pc) =	sbr.rel .LBB2_30-.Ltmp22, $2  }
0xd1: {  	_ =	sdelay $0x2  }
0xd2: {  	s23 =	simm.s32 $0x0  }
.LBB2_18:
.Ltmp23:
0xd3: {  	(pc) =	sbr.rel .LBB2_21-.Ltmp23, $2  }
0xd4: {  	_ =	sdelay $0x2  }
0xd5: {  	s22 =	simm.s32 $0x0  }
.LBB2_27:
.Ltmp24:
0xd6: {  	(pc) =	sbr.rel .LBB2_30-.Ltmp24, $2  }
0xd7: {  	_ =	sdelay $0x2  }
0xd8: {  	s23 =	simm.s32 $0x0  }
.LBB2_7:
.Ltmp25:
0xd9: {  	(pc) =	sbr.rel @p1 .LBB2_32-.Ltmp25, $2  }
0xda: {  	_ =	sdelay $0x2  }
0xdb: {  	s21 =	simm.s32 $0x0;
	v3 =	vmov s16;
	s22 =	simm.s32 $0x0  }
0xdc: {  	s18 =	simm.s32 $0x8000  }
0xdd: {  	p5 =	seq.s32 s20, $0x1;
	v4 =	vld [tilespmem:s18+$0x0]  }
.Ltmp26:
0xde: {  	_ = 	snop;
	(pc) =	sbr.rel @p5 .LBB2_9-.Ltmp26, $3  }
0xdf: {  	_ =	sdelay $0x1  }
0xe0: {  	s17 =	simm.s32 $0x0;
	s22 =	simm.s32 $0x8010;
	p2 =	por $0x0, $0x0  }
0xe1: {  	p3 =	por $0x0, $0x0;
	p4 =	por $0x0, $0x0;
	s18 =	sadd.s32 $0xFFFFFFFF, s20;
	vm10 =	vge.s32 v4, v3  }
0xe2: {  	v4 =	vld [tilespmem:s22+$0x0];
	p5 =	seq.s32 s18, $0x1  }
.Ltmp27:
0xe3: {  	_ = 	snop;
	(pc) =	sbr.rel @p5 .LBB2_36-.Ltmp27, $3  }
0xe4: {  	_ = 	snop  }
0xe5: {  	v5 =	vmpcnt.ones.xlane vm10;
	_ =	sdelay $0x1  }
0xe6: {  	s18 =	sadd.s32 $0xFFFFFFFF, s18;
	s22 =	simm.s32 $0x8020;
	p2 =	por $0x1, $0x1;
	(v2sf) =	vpush v5, $0x0;
	vm10 =	vge.s32 v4, v3  }
0xe7: {  	v5 =	vmpcnt.ones.xlane vm10;
	_ =	sdelay $0x1  }
0xe8: {  	(v2sf) =	vpush v5, $0x0;
	_ =	sdelay $0x3  }
0xe9: {  	v4 =	vld [tilespmem:s22+$0x0];
	p5 =	seq.s32 s18, $0x1  }
.Ltmp28:
0xea: {  	_ = 	snop;
	(pc) =	sbr.rel @p5 .LBB2_38-.Ltmp28, $2  }
0xeb: {  	_ =	sdelay $0x2  }
0xec: {  	s18 =	sadd.s32 $0xFFFFFFFF, s18;
	s22 =	simm.s32 $0x8030;
	p3 =	por $0x1, $0x1;
	vm10 =	vge.s32 v4, v3  }
0xed: {  	v5 =	vmpcnt.ones.xlane vm10;
	_ =	sdelay $0x1  }
0xee: {  	(v2sf) =	vpush v5, $0x0;
	_ =	sdelay $0x2  }
0xef: {  	v4 =	vld [tilespmem:s22+$0x0];
	p5 =	seq.s32 s18, $0x1  }
.Ltmp29:
0xf0: {  	_ = 	snop;
	(pc) =	sbr.rel @p5 .LBB2_40-.Ltmp29, $3  }
0xf1: {  	_ =	sdelay $0x1  }
0xf2: {  	s23 =	sadd.s32 $0xFFFFFFFF, s18;
	s24 =	simm.s32 $0x8040  }
0xf3: {  	p4 =	por $0x1, $0x1;
	s18 =	simm.s32 $0x0;
	s22 =	spop (v2sf);
	vm10 =	vge.s32 v4, v3  }
.LBB2_41:
0xf4: {  	v4 =	vld [tilespmem:s24+$0x0];
	p5 =	seq.s32 s23, $0x1;
	s23 =	sadd.s32 $0xFFFFFFFF, s23;
	v5 =	vmpcnt.ones.xlane vm10;
	s18 =	sadd.s32 s18, s22  }
.Ltmp30:
0xf5: {  	(pc) =	sbr.rel @!p5 .LBB2_41-.Ltmp30, $2  }
0xf6: {  	(v2sf) =	vpush v5, $0x0;
	_ =	sdelay $0x3  }
0xf7: {  	s24 =	sadd.s32 $0x10, s24;
	vm10 =	vge.s32 v4, v3;
	s22 =	spop (v2sf)  }
0xf8: {  	_ = 	snop  }
.LBB2_43:
0xf9: {  	v4 =	vmpcnt.ones.xlane vm10;
	_ =	sdelay $0x1  }
0xfa: {  	(v2sf) =	vpush v4, $0x0;
	_ =	sdelay $0x9  }
0xfb: {  	s18 =	sadd.s32 @p4 s18, s22;
	s22 =	spop @p3 (v2sf);
	s23 =	simm.s32 $0x0  }
0xfc: {  	s22 =	smov.u32 @p3 s22;
	s23 =	smov.u32 @p4 s18  }
0xfd: {  	s18 =	sadd.s32 @p3 s23, s22;
	s23 =	simm.s32 $0x0;
	s22 =	spop @p2 (v2sf)  }
0xfe: {  	s23 =	smov.u32 @p3 s18;
	s22 =	smov.u32 @p2 s22  }
0xff: {  	s18 =	sadd.s32 @p2 s23, s22  }
0x100: {  	s17 =	smov.u32 @p2 s18;
	s31 =	spop (v2sf)  }
0x101: {  	s22 =	sadd.s32 s17, s31  }
.LBB2_32:
.Ltmp31:
0x102: {  	(pc) =	sbr.rel @p0 .LBB2_53-.Ltmp31, $1  }
0x103: {  	_ =	sdelay $0x3  }
0x104: {  	s18 =	simm.s32 $0xA080  }
0x105: {  	p5 =	sne.s32 s19, $0x1;
	v4 =	vld [tilespmem:s18+$0x0]  }
.Ltmp32:
0x106: {  	_ = 	snop;
	(pc) =	sbr.rel @!p5 .LBB2_34-.Ltmp32, $3  }
0x107: {  	_ =	sdelay $0x1  }
0x108: {  	s17 =	simm.s32 $0x0;
	s21 =	simm.s32 $0xA090;
	p2 =	por $0x0, $0x0  }
0x109: {  	p3 =	por $0x0, $0x0;
	p4 =	por $0x0, $0x0;
	s18 =	sadd.s32 $0xFFFFFFFF, s19;
	vm10 =	vge.s32 v4, v3  }
0x10a: {  	v4 =	vld [tilespmem:s21+$0x0];
	p5 =	sne.s32 s18, $0x1  }
.Ltmp33:
0x10b: {  	_ = 	snop;
	(pc) =	sbr.rel @!p5 .LBB2_45-.Ltmp33, $3  }
0x10c: {  	_ = 	snop  }
0x10d: {  	v5 =	vmpcnt.ones.xlane vm10;
	_ =	sdelay $0x1  }
0x10e: {  	s18 =	sadd.s32 $0xFFFFFFFF, s18;
	s21 =	simm.s32 $0xA0A0;
	p2 =	por $0x1, $0x1;
	(v2sf) =	vpush v5, $0x0;
	vm10 =	vge.s32 v4, v3  }
0x10f: {  	v5 =	vmpcnt.ones.xlane vm10;
	_ =	sdelay $0x1  }
0x110: {  	(v2sf) =	vpush v5, $0x0;
	_ =	sdelay $0x3  }
0x111: {  	v4 =	vld [tilespmem:s21+$0x0];
	p5 =	sne.s32 s18, $0x1  }
.Ltmp34:
0x112: {  	_ = 	snop;
	(pc) =	sbr.rel @!p5 .LBB2_47-.Ltmp34, $2  }
0x113: {  	_ =	sdelay $0x2  }
0x114: {  	s18 =	sadd.s32 $0xFFFFFFFF, s18;
	s21 =	simm.s32 $0xA0B0;
	p3 =	por $0x1, $0x1;
	vm10 =	vge.s32 v4, v3  }
0x115: {  	v5 =	vmpcnt.ones.xlane vm10;
	_ =	sdelay $0x1  }
0x116: {  	(v2sf) =	vpush v5, $0x0;
	_ =	sdelay $0x2  }
0x117: {  	v4 =	vld [tilespmem:s21+$0x0];
	p5 =	sne.s32 s18, $0x1  }
.Ltmp35:
0x118: {  	_ = 	snop;
	(pc) =	sbr.rel @!p5 .LBB2_49-.Ltmp35, $3  }
0x119: {  	_ =	sdelay $0x1  }
0x11a: {  	s23 =	sadd.s32 $0xFFFFFFFF, s18;
	s24 =	simm.s32 $0xA0C0  }
0x11b: {  	p4 =	por $0x1, $0x1;
	s18 =	simm.s32 $0x0;
	s21 =	spop (v2sf);
	vm10 =	vge.s32 v4, v3  }
.LBB2_50:
0x11c: {  	v4 =	vld [tilespmem:s24+$0x0];
	p5 =	sne.s32 s23, $0x1;
	s23 =	sadd.s32 $0xFFFFFFFF, s23;
	v5 =	vmpcnt.ones.xlane vm10;
	s18 =	sadd.s32 s18, s21  }
.Ltmp36:
0x11d: {  	(pc) =	sbr.rel @p5 .LBB2_50-.Ltmp36, $2  }
0x11e: {  	(v2sf) =	vpush v5, $0x0;
	_ =	sdelay $0x3  }
0x11f: {  	s24 =	sadd.s32 $0x10, s24;
	vm10 =	vge.s32 v4, v3;
	s21 =	spop (v2sf)  }
0x120: {  	_ = 	snop  }
.LBB2_52:
0x121: {  	v3 =	vmpcnt.ones.xlane vm10;
	_ =	sdelay $0x1  }
0x122: {  	(v2sf) =	vpush v3, $0x0;
	_ =	sdelay $0x9  }
0x123: {  	s18 =	sadd.s32 @p4 s18, s21;
	s21 =	spop @p3 (v2sf);
	s23 =	simm.s32 $0x0  }
0x124: {  	s21 =	smov.u32 @p3 s21;
	s23 =	smov.u32 @p4 s18  }
0x125: {  	s18 =	sadd.s32 @p3 s23, s21;
	s23 =	simm.s32 $0x0;
	s21 =	spop @p2 (v2sf)  }
0x126: {  	s23 =	smov.u32 @p3 s18;
	s21 =	smov.u32 @p2 s21  }
0x127: {  	s18 =	sadd.s32 @p2 s23, s21  }
0x128: {  	s17 =	smov.u32 @p2 s18;
	s31 =	spop (v2sf)  }
0x129: {  	s21 =	sadd.s32 s17, s31  }
.LBB2_53:
.Ltmp37:
0x12a: {  	(pc) =	sbr.rel @p1 .LBB2_56-.Ltmp37, $3  }
0x12b: {  	_ =	sdelay $0x1  }
0x12c: {  	s18 =	sadd.s32 $0x1, s16  }
0x12d: {  	s17 =	simm.s32 $0x0;
	v3 =	vmov s18;
	s18 =	simm.s32 $0x0  }
0x12e: {  	s23 =	simm.s32 $0x8000  }
0x12f: {  	p4 =	seq.s32 s20, $0x1;
	v4 =	vld [tilespmem:s23+$0x0]  }
.Ltmp38:
0x130: {  	_ = 	snop;
	(pc) =	sbr.rel @p4 .LBB2_55-.Ltmp38, $3  }
0x131: {  	_ =	sdelay $0x1  }
0x132: {  	s18 =	simm.s32 $0x0;
	s20 =	sadd.s32 $0xFFFFFFFF, s20;
	p1 =	por $0x0, $0x0  }
0x133: {  	p2 =	por $0x0, $0x0;
	p3 =	por $0x0, $0x0;
	s23 =	simm.s32 $0x8010;
	vm10 =	vge.s32 v4, v3  }
0x134: {  	v4 =	vld [tilespmem:s23+$0x0];
	p4 =	seq.s32 s20, $0x1  }
.Ltmp39:
0x135: {  	_ = 	snop;
	(pc) =	sbr.rel @p4 .LBB2_60-.Ltmp39, $3  }
0x136: {  	_ = 	snop  }
0x137: {  	v5 =	vmpcnt.ones.xlane vm10;
	_ =	sdelay $0x1  }
0x138: {  	s20 =	sadd.s32 $0xFFFFFFFF, s20;
	s23 =	simm.s32 $0x8020;
	p1 =	por $0x1, $0x1;
	(v2sf) =	vpush v5, $0x0;
	vm10 =	vge.s32 v4, v3  }
0x139: {  	v5 =	vmpcnt.ones.xlane vm10;
	_ =	sdelay $0x1  }
0x13a: {  	(v2sf) =	vpush v5, $0x0;
	_ =	sdelay $0x3  }
0x13b: {  	v4 =	vld [tilespmem:s23+$0x0];
	p4 =	seq.s32 s20, $0x1  }
.Ltmp40:
0x13c: {  	_ = 	snop;
	(pc) =	sbr.rel @p4 .LBB2_62-.Ltmp40, $2  }
0x13d: {  	_ =	sdelay $0x2  }
0x13e: {  	s20 =	sadd.s32 $0xFFFFFFFF, s20;
	s23 =	simm.s32 $0x8030;
	p2 =	por $0x1, $0x1;
	vm10 =	vge.s32 v4, v3  }
0x13f: {  	v5 =	vmpcnt.ones.xlane vm10;
	_ =	sdelay $0x1  }
0x140: {  	(v2sf) =	vpush v5, $0x0;
	_ =	sdelay $0x2  }
0x141: {  	v4 =	vld [tilespmem:s23+$0x0];
	p4 =	seq.s32 s20, $0x1  }
.Ltmp41:
0x142: {  	_ = 	snop;
	(pc) =	sbr.rel @p4 .LBB2_64-.Ltmp41, $3  }
0x143: {  	_ =	sdelay $0x1  }
0x144: {  	s24 =	sadd.s32 $0xFFFFFFFF, s20;
	s25 =	simm.s32 $0x8040  }
0x145: {  	p3 =	por $0x1, $0x1;
	s20 =	simm.s32 $0x0;
	s23 =	spop (v2sf);
	vm10 =	vge.s32 v4, v3  }
.LBB2_65:
0x146: {  	v4 =	vld [tilespmem:s25+$0x0];
	p4 =	seq.s32 s24, $0x1;
	s24 =	sadd.s32 $0xFFFFFFFF, s24;
	v5 =	vmpcnt.ones.xlane vm10;
	s20 =	sadd.s32 s20, s23  }
.Ltmp42:
0x147: {  	(pc) =	sbr.rel @!p4 .LBB2_65-.Ltmp42, $2  }
0x148: {  	(v2sf) =	vpush v5, $0x0;
	_ =	sdelay $0x3  }
0x149: {  	s25 =	sadd.s32 $0x10, s25;
	vm10 =	vge.s32 v4, v3;
	s23 =	spop (v2sf)  }
0x14a: {  	_ = 	snop  }
.LBB2_67:
0x14b: {  	v4 =	vmpcnt.ones.xlane vm10;
	_ =	sdelay $0x1  }
0x14c: {  	(v2sf) =	vpush v4, $0x0;
	_ =	sdelay $0x9  }
0x14d: {  	s20 =	sadd.s32 @p3 s20, s23;
	s23 =	spop @p2 (v2sf);
	s24 =	simm.s32 $0x0  }
0x14e: {  	s23 =	smov.u32 @p2 s23;
	s24 =	smov.u32 @p3 s20  }
0x14f: {  	s20 =	sadd.s32 @p2 s24, s23;
	s24 =	simm.s32 $0x0;
	s23 =	spop @p1 (v2sf)  }
0x150: {  	s24 =	smov.u32 @p2 s20;
	s23 =	smov.u32 @p1 s23  }
0x151: {  	s20 =	sadd.s32 @p1 s24, s23  }
0x152: {  	s18 =	smov.u32 @p1 s20;
	s31 =	spop (v2sf)  }
0x153: {  	s18 =	sadd.s32 s18, s31  }
.LBB2_56:
.Ltmp43:
0x154: {  	(pc) =	sbr.rel @p0 .LBB2_77-.Ltmp43, $1  }
0x155: {  	_ =	sdelay $0x3  }
0x156: {  	s20 =	simm.s32 $0xA080  }
0x157: {  	p3 =	sne.s32 s19, $0x1;
	v4 =	vld [tilespmem:s20+$0x0]  }
.Ltmp44:
0x158: {  	_ = 	snop;
	(pc) =	sbr.rel @!p3 .LBB2_58-.Ltmp44, $3  }
0x159: {  	_ =	sdelay $0x1  }
0x15a: {  	s17 =	simm.s32 $0x0;
	s19 =	sadd.s32 $0xFFFFFFFF, s19;
	p0 =	por $0x0, $0x0  }
0x15b: {  	p1 =	por $0x0, $0x0;
	p2 =	por $0x0, $0x0;
	s20 =	simm.s32 $0xA090;
	vm10 =	vge.s32 v4, v3  }
0x15c: {  	v4 =	vld [tilespmem:s20+$0x0];
	p3 =	sne.s32 s19, $0x1  }
.Ltmp45:
0x15d: {  	_ = 	snop;
	(pc) =	sbr.rel @!p3 .LBB2_69-.Ltmp45, $3  }
0x15e: {  	_ = 	snop  }
0x15f: {  	v5 =	vmpcnt.ones.xlane vm10;
	_ =	sdelay $0x1  }
0x160: {  	s19 =	sadd.s32 $0xFFFFFFFF, s19;
	s20 =	simm.s32 $0xA0A0;
	p0 =	por $0x1, $0x1;
	(v2sf) =	vpush v5, $0x0;
	vm10 =	vge.s32 v4, v3  }
0x161: {  	v5 =	vmpcnt.ones.xlane vm10;
	_ =	sdelay $0x1  }
0x162: {  	(v2sf) =	vpush v5, $0x0;
	_ =	sdelay $0x3  }
0x163: {  	v4 =	vld [tilespmem:s20+$0x0];
	p3 =	sne.s32 s19, $0x1  }
.Ltmp46:
0x164: {  	_ = 	snop;
	(pc) =	sbr.rel @!p3 .LBB2_71-.Ltmp46, $2  }
0x165: {  	_ =	sdelay $0x2  }
0x166: {  	s19 =	sadd.s32 $0xFFFFFFFF, s19;
	s20 =	simm.s32 $0xA0B0;
	p1 =	por $0x1, $0x1;
	vm10 =	vge.s32 v4, v3  }
0x167: {  	v5 =	vmpcnt.ones.xlane vm10;
	_ =	sdelay $0x1  }
0x168: {  	(v2sf) =	vpush v5, $0x0;
	_ =	sdelay $0x2  }
0x169: {  	v4 =	vld [tilespmem:s20+$0x0];
	p3 =	sne.s32 s19, $0x1  }
.Ltmp47:
0x16a: {  	_ = 	snop;
	(pc) =	sbr.rel @!p3 .LBB2_73-.Ltmp47, $3  }
0x16b: {  	_ =	sdelay $0x1  }
0x16c: {  	s23 =	sadd.s32 $0xFFFFFFFF, s19;
	s24 =	simm.s32 $0xA0C0  }
0x16d: {  	p2 =	por $0x1, $0x1;
	s19 =	simm.s32 $0x0;
	s20 =	spop (v2sf);
	vm10 =	vge.s32 v4, v3  }
.LBB2_74:
0x16e: {  	v4 =	vld [tilespmem:s24+$0x0];
	p3 =	sne.s32 s23, $0x1;
	s23 =	sadd.s32 $0xFFFFFFFF, s23;
	v5 =	vmpcnt.ones.xlane vm10;
	s19 =	sadd.s32 s19, s20  }
.Ltmp48:
0x16f: {  	(pc) =	sbr.rel @p3 .LBB2_74-.Ltmp48, $2  }
0x170: {  	(v2sf) =	vpush v5, $0x0;
	_ =	sdelay $0x3  }
0x171: {  	s24 =	sadd.s32 $0x10, s24;
	vm10 =	vge.s32 v4, v3;
	s20 =	spop (v2sf)  }
0x172: {  	_ = 	snop  }
.LBB2_76:
0x173: {  	v3 =	vmpcnt.ones.xlane vm10;
	_ =	sdelay $0x1  }
0x174: {  	(v2sf) =	vpush v3, $0x0;
	_ =	sdelay $0x9  }
0x175: {  	s19 =	sadd.s32 @p2 s19, s20;
	s20 =	spop @p1 (v2sf);
	s23 =	simm.s32 $0x0  }
0x176: {  	s20 =	smov.u32 @p1 s20;
	s23 =	smov.u32 @p2 s19  }
0x177: {  	s19 =	sadd.s32 @p1 s23, s20;
	s23 =	simm.s32 $0x0;
	s20 =	spop @p0 (v2sf)  }
0x178: {  	s23 =	smov.u32 @p1 s19;
	s20 =	smov.u32 @p0 s20  }
0x179: {  	s19 =	sadd.s32 @p0 s23, s20  }
0x17a: {  	s17 =	smov.u32 @p0 s19;
	s31 =	spop (v2sf)  }
0x17b: {  	s17 =	sadd.s32 s17, s31  }
.LBB2_77:
0x17c: {  	s19 =	sadd.s32 $0xF, s12;
	s20 =	sadd.s32 $0xF, s15  }
0x17d: {  	s23 =	sand.u32 $0xF, s19;
	s24 =	sand.u32 $0xF, s20;
	s29 =	sshra.s32 s19, $0x1F  }
0x17e: {  	p2 =	slt.s32 s19, $0x1;
	p3 =	slt.s32 s20, $0x1;
	s31 =	sshra.s32 s20, $0x1F  }
0x17f: {  	p0 =	sne.s32 s23, $0x0;
	p1 =	sne.s32 s24, $0x0;
	s23 =	sshrl.u32 s29, $0x1C  }
0x180: {  	s24 =	simm.s32 $0x1;
	p0 =	por !p2, !p0;
	p1 =	por !p3, !p1  }
0x181: {  	s23 =	sadd.s32 s23, s19;
	s19 =	sadd.s32 s22, s21;
	s22 =	sshrl.u32 s31, $0x1C  }
.Ltmp49:
0x182: {  	s30 =	sshra.s32 s23, $0x4;
	p0 =	por !p0, !p0;
	(pc) =	sbr.rel .LBB2_78-.Ltmp49, $4  }
0x183: {  	s23 =	simm.s32 $0x1;
	s20 =	sadd.s32 s22, s20;
	p1 =	por !p1, !p1  }
0x184: {  	s23 =	simm.s32 @!p0 $0x0;
	s20 =	sshra.s32 s20, $0x4;
	s24 =	simm.s32 @!p1 $0x0  }
0x185: {  	s22 =	ssub.s32 s30, s23;
	s21 =	ssub.s32 s20, s24;
	s20 =	simm.s32 $0x0  }
0x186: {  	s23 =	simm.s32 $0x0;
	p1 =	slt.s32 s22, $0x1;
	p0 =	slt.s32 s21, $0x1  }
.LBB2_86:
0x187: {  	s28 =	simm.s32 $0x0  }
.LBB2_104:
0x188: {  	v3 =	vmpcnt.ones.xlane vm10;
	_ =	sdelay $0x1  }
0x189: {  	(v2sf) =	vpush v3, $0x0;
	_ =	sdelay $0x9  }
0x18a: {  	s28 =	sadd.s32 @p4 s28, s29;
	s29 =	spop @p3 (v2sf);
	s30 =	simm.s32 $0x0  }
0x18b: {  	s29 =	smov.u32 @p3 s29;
	s30 =	smov.u32 @p4 s28  }
0x18c: {  	s28 =	sadd.s32 @p3 s30, s29;
	s30 =	simm.s32 $0x0;
	s29 =	spop @p2 (v2sf)  }
0x18d: {  	s30 =	smov.u32 @p3 s28;
	s29 =	smov.u32 @p2 s29  }
0x18e: {  	s28 =	sadd.s32 @p2 s30, s29  }
0x18f: {  	s26 =	smov.u32 @p2 s28;
	s31 =	spop (v2sf)  }
0x190: {  	s26 =	sadd.s32 s26, s31  }
.LBB2_105:
0x191: {  	s23 =	sadd.s32 $0x1, s23  }
0x192: {  	p3 =	seq.s32 s23, $0x1A  }
.Ltmp50:
0x193: {  	_ = 	snop;
	(pc) =	sbr.rel @p3 .LBB2_81-.Ltmp50, $4  }
0x194: {  	_ = 	snop  }
0x195: {  	s25 =	sadd.s32 s25, s26  }
0x196: {  	p2 =	sgt.s32 s25, $0xFF  }
0x197: {  	s20 =	smov.u32 @p2 s24  }
.LBB2_78:
.Ltmp51:
0x198: {  	(pc) =	sbr.rel @p1 .LBB2_84-.Ltmp51, $4  }
0x199: {  	_ = 	snop  }
0x19a: {  	s24 =	sshrl.u32 s9, s23  }
0x19b: {  	s24 =	sor.u32 s24, s20  }
0x19c: {  	s25 =	simm.s32 $0x0;
	v3 =	vmov s24  }
0x19d: {  	s26 =	simm.s32 $0xC100  }
0x19e: {  	p5 =	seq.s32 s22, $0x1;
	v4 =	vld [tilespmem:s26+$0x0]  }
.Ltmp52:
0x19f: {  	_ = 	snop;
	(pc) =	sbr.rel @p5 .LBB2_80-.Ltmp52, $3  }
0x1a0: {  	_ =	sdelay $0x1  }
0x1a1: {  	s25 =	simm.s32 $0x0;
	s28 =	simm.s32 $0xC110;
	p2 =	por $0x0, $0x0  }
0x1a2: {  	p3 =	por $0x0, $0x0;
	p4 =	por $0x0, $0x0;
	s26 =	sadd.s32 $0xFFFFFFFF, s22;
	vm10 =	vge.s32 v4, v3  }
0x1a3: {  	v4 =	vld [tilespmem:s28+$0x0];
	p5 =	seq.s32 s26, $0x1  }
.Ltmp53:
0x1a4: {  	_ = 	snop;
	(pc) =	sbr.rel @p5 .LBB2_88-.Ltmp53, $3  }
0x1a5: {  	_ = 	snop  }
0x1a6: {  	v5 =	vmpcnt.ones.xlane vm10;
	_ =	sdelay $0x1  }
0x1a7: {  	s26 =	sadd.s32 $0xFFFFFFFF, s26;
	s28 =	simm.s32 $0xC120;
	p2 =	por $0x1, $0x1;
	(v2sf) =	vpush v5, $0x0;
	vm10 =	vge.s32 v4, v3  }
0x1a8: {  	v5 =	vmpcnt.ones.xlane vm10;
	_ =	sdelay $0x1  }
0x1a9: {  	(v2sf) =	vpush v5, $0x0;
	_ =	sdelay $0x3  }
0x1aa: {  	v4 =	vld [tilespmem:s28+$0x0];
	p5 =	seq.s32 s26, $0x1  }
.Ltmp54:
0x1ab: {  	_ = 	snop;
	(pc) =	sbr.rel @p5 .LBB2_90-.Ltmp54, $2  }
0x1ac: {  	_ =	sdelay $0x2  }
0x1ad: {  	s26 =	sadd.s32 $0xFFFFFFFF, s26;
	s28 =	simm.s32 $0xC130;
	p3 =	por $0x1, $0x1;
	vm10 =	vge.s32 v4, v3  }
0x1ae: {  	v5 =	vmpcnt.ones.xlane vm10;
	_ =	sdelay $0x1  }
0x1af: {  	(v2sf) =	vpush v5, $0x0;
	_ =	sdelay $0x2  }
0x1b0: {  	v4 =	vld [tilespmem:s28+$0x0];
	p5 =	seq.s32 s26, $0x1  }
.Ltmp55:
0x1b1: {  	_ = 	snop;
	(pc) =	sbr.rel @p5 .LBB2_92-.Ltmp55, $3  }
0x1b2: {  	_ =	sdelay $0x1  }
0x1b3: {  	s29 =	sadd.s32 $0xFFFFFFFF, s26;
	s30 =	simm.s32 $0xC140  }
0x1b4: {  	p4 =	por $0x1, $0x1;
	s26 =	simm.s32 $0x0;
	s28 =	spop (v2sf);
	vm10 =	vge.s32 v4, v3  }
.LBB2_93:
0x1b5: {  	v4 =	vld [tilespmem:s30+$0x0];
	p5 =	seq.s32 s29, $0x1;
	s29 =	sadd.s32 $0xFFFFFFFF, s29;
	v5 =	vmpcnt.ones.xlane vm10;
	s26 =	sadd.s32 s26, s28  }
.Ltmp56:
0x1b6: {  	(pc) =	sbr.rel @!p5 .LBB2_93-.Ltmp56, $2  }
0x1b7: {  	(v2sf) =	vpush v5, $0x0;
	_ =	sdelay $0x3  }
0x1b8: {  	s30 =	sadd.s32 $0x10, s30;
	vm10 =	vge.s32 v4, v3;
	s28 =	spop (v2sf)  }
0x1b9: {  	_ = 	snop  }
.LBB2_95:
0x1ba: {  	v4 =	vmpcnt.ones.xlane vm10;
	_ =	sdelay $0x1  }
0x1bb: {  	(v2sf) =	vpush v4, $0x0;
	_ =	sdelay $0x9  }
0x1bc: {  	s26 =	sadd.s32 @p4 s26, s28;
	s28 =	spop @p3 (v2sf);
	s29 =	simm.s32 $0x0  }
0x1bd: {  	s28 =	smov.u32 @p3 s28;
	s29 =	smov.u32 @p4 s26  }
0x1be: {  	s26 =	sadd.s32 @p3 s29, s28;
	s29 =	simm.s32 $0x0;
	s28 =	spop @p2 (v2sf)  }
0x1bf: {  	s29 =	smov.u32 @p3 s26;
	s28 =	smov.u32 @p2 s28  }
0x1c0: {  	s26 =	sadd.s32 @p2 s29, s28  }
0x1c1: {  	s25 =	smov.u32 @p2 s26;
	s31 =	spop (v2sf)  }
0x1c2: {  	s25 =	sadd.s32 s25, s31  }
.LBB2_84:
.Ltmp57:
0x1c3: {  	(pc) =	sbr.rel @p0 .LBB2_105-.Ltmp57, $2  }
0x1c4: {  	_ =	sdelay $0x2  }
0x1c5: {  	s26 =	simm.s32 $0x0  }
0x1c6: {  	s28 =	simm.s32 $0xE180  }
0x1c7: {  	p5 =	sne.s32 s21, $0x1;
	v4 =	vld [tilespmem:s28+$0x0]  }
.Ltmp58:
0x1c8: {  	_ = 	snop;
	(pc) =	sbr.rel @!p5 .LBB2_86-.Ltmp58, $3  }
0x1c9: {  	_ =	sdelay $0x1  }
0x1ca: {  	s29 =	simm.s32 $0xE190;
	p2 =	por $0x0, $0x0  }
0x1cb: {  	p3 =	por $0x0, $0x0;
	p4 =	por $0x0, $0x0;
	s28 =	sadd.s32 $0xFFFFFFFF, s21;
	vm10 =	vge.s32 v4, v3  }
0x1cc: {  	v4 =	vld [tilespmem:s29+$0x0];
	p5 =	sne.s32 s28, $0x1  }
.Ltmp59:
0x1cd: {  	v5 =	vmpcnt.ones.xlane vm10;
	(pc) =	sbr.rel @!p5 .LBB2_97-.Ltmp59, $3  }
0x1ce: {  	_ = 	snop  }
0x1cf: {  	(v2sf) =	vpush v5, $0x0;
	_ =	sdelay $0x1  }
0x1d0: {  	s28 =	sadd.s32 $0xFFFFFFFF, s28;
	s29 =	simm.s32 $0xE1A0;
	p2 =	por $0x1, $0x1;
	vm10 =	vge.s32 v4, v3  }
0x1d1: {  	v5 =	vmpcnt.ones.xlane vm10;
	_ =	sdelay $0x1  }
0x1d2: {  	(v2sf) =	vpush v5, $0x0;
	_ =	sdelay $0x3  }
0x1d3: {  	v4 =	vld [tilespmem:s29+$0x0];
	p5 =	sne.s32 s28, $0x1  }
.Ltmp60:
0x1d4: {  	_ = 	snop;
	(pc) =	sbr.rel @!p5 .LBB2_99-.Ltmp60, $2  }
0x1d5: {  	_ =	sdelay $0x2  }
0x1d6: {  	s28 =	sadd.s32 $0xFFFFFFFF, s28;
	s29 =	simm.s32 $0xE1B0;
	p3 =	por $0x1, $0x1;
	vm10 =	vge.s32 v4, v3  }
0x1d7: {  	v5 =	vmpcnt.ones.xlane vm10;
	_ =	sdelay $0x1  }
0x1d8: {  	(v2sf) =	vpush v5, $0x0;
	_ =	sdelay $0x2  }
0x1d9: {  	v4 =	vld [tilespmem:s29+$0x0];
	p5 =	sne.s32 s28, $0x1  }
.Ltmp61:
0x1da: {  	_ = 	snop;
	(pc) =	sbr.rel @!p5 .LBB2_101-.Ltmp61, $3  }
0x1db: {  	_ =	sdelay $0x1  }
0x1dc: {  	s30 =	sadd.s32 $0xFFFFFFFF, s28;
	s31 =	simm.s32 $0xE1C0  }
0x1dd: {  	s29 =	spop (v2sf);
	p4 =	por $0x1, $0x1;
	s28 =	simm.s32 $0x0;
	vm10 =	vge.s32 v4, v3  }
.LBB2_102:
0x1de: {  	v4 =	vld [tilespmem:s31+$0x0];
	p5 =	sne.s32 s30, $0x1;
	s30 =	sadd.s32 $0xFFFFFFFF, s30;
	v5 =	vmpcnt.ones.xlane vm10;
	s28 =	sadd.s32 s28, s29  }
.Ltmp62:
0x1df: {  	(pc) =	sbr.rel @p5 .LBB2_102-.Ltmp62, $2  }
0x1e0: {  	(v2sf) =	vpush v5, $0x0;
	_ =	sdelay $0x3  }
0x1e1: {  	s31 =	sadd.s32 $0x10, s31;
	vm10 =	vge.s32 v4, v3;
	s29 =	spop (v2sf)  }
.Ltmp63:
0x1e2: {  	(pc) =	sbr.rel .LBB2_104-.Ltmp63, $1  }
0x1e3: {  	_ =	sdelay $0x3  }
.LBB2_80:
.Ltmp64:
0x1e4: {  	(pc) =	sbr.rel .LBB2_95-.Ltmp64, $2  }
0x1e5: {  	_ =	sdelay $0x2  }
0x1e6: {  	s26 =	simm.s32 $0x0  }
.LBB2_88:
.Ltmp65:
0x1e7: {  	(pc) =	sbr.rel .LBB2_95-.Ltmp65, $2  }
0x1e8: {  	_ =	sdelay $0x2  }
0x1e9: {  	s26 =	simm.s32 $0x0  }
.LBB2_97:
.Ltmp66:
0x1ea: {  	(pc) =	sbr.rel .LBB2_104-.Ltmp66, $2  }
0x1eb: {  	_ =	sdelay $0x2  }
0x1ec: {  	s28 =	simm.s32 $0x0  }
.LBB2_90:
.Ltmp67:
0x1ed: {  	(pc) =	sbr.rel .LBB2_95-.Ltmp67, $2  }
0x1ee: {  	_ =	sdelay $0x2  }
0x1ef: {  	s26 =	simm.s32 $0x0  }
.LBB2_99:
.Ltmp68:
0x1f0: {  	(pc) =	sbr.rel .LBB2_104-.Ltmp68, $2  }
0x1f1: {  	_ =	sdelay $0x2  }
0x1f2: {  	s28 =	simm.s32 $0x0  }
.LBB2_92:
.Ltmp69:
0x1f3: {  	(pc) =	sbr.rel .LBB2_95-.Ltmp69, $2  }
0x1f4: {  	_ =	sdelay $0x2  }
0x1f5: {  	s26 =	simm.s32 $0x0  }
.LBB2_101:
.Ltmp70:
0x1f6: {  	(pc) =	sbr.rel .LBB2_104-.Ltmp70, $2  }
0x1f7: {  	_ =	sdelay $0x2  }
0x1f8: {  	s28 =	simm.s32 $0x0  }
.LBB2_81:
.Ltmp71:
0x1f9: {  	(pc) =	sbr.rel @p1 .LBB2_106-.Ltmp71, $2  }
0x1fa: {  	_ =	sdelay $0x2  }
0x1fb: {  	s23 =	simm.s32 $0x0;
	v3 =	vmov s20;
	s24 =	simm.s32 $0x0  }
0x1fc: {  	s25 =	simm.s32 $0xC100  }
0x1fd: {  	p5 =	seq.s32 s22, $0x1;
	v4 =	vld [tilespmem:s25+$0x0]  }
.Ltmp72:
0x1fe: {  	_ = 	snop;
	(pc) =	sbr.rel @p5 .LBB2_83-.Ltmp72, $3  }
0x1ff: {  	_ =	sdelay $0x1  }
0x200: {  	s24 =	simm.s32 $0x0;
	s26 =	simm.s32 $0xC110;
	p2 =	por $0x0, $0x0  }
0x201: {  	p3 =	por $0x0, $0x0;
	p4 =	por $0x0, $0x0;
	s25 =	sadd.s32 $0xFFFFFFFF, s22;
	vm10 =	vge.s32 v4, v3  }
0x202: {  	v4 =	vld [tilespmem:s26+$0x0];
	p5 =	seq.s32 s25, $0x1  }
.Ltmp73:
0x203: {  	_ = 	snop;
	(pc) =	sbr.rel @p5 .LBB2_110-.Ltmp73, $3  }
0x204: {  	_ = 	snop  }
0x205: {  	v5 =	vmpcnt.ones.xlane vm10;
	_ =	sdelay $0x1  }
0x206: {  	s25 =	sadd.s32 $0xFFFFFFFF, s25;
	s26 =	simm.s32 $0xC120;
	p2 =	por $0x1, $0x1;
	(v2sf) =	vpush v5, $0x0;
	vm10 =	vge.s32 v4, v3  }
0x207: {  	v5 =	vmpcnt.ones.xlane vm10;
	_ =	sdelay $0x1  }
0x208: {  	(v2sf) =	vpush v5, $0x0;
	_ =	sdelay $0x3  }
0x209: {  	v4 =	vld [tilespmem:s26+$0x0];
	p5 =	seq.s32 s25, $0x1  }
.Ltmp74:
0x20a: {  	_ = 	snop;
	(pc) =	sbr.rel @p5 .LBB2_112-.Ltmp74, $2  }
0x20b: {  	_ =	sdelay $0x2  }
0x20c: {  	s25 =	sadd.s32 $0xFFFFFFFF, s25;
	s26 =	simm.s32 $0xC130;
	p3 =	por $0x1, $0x1;
	vm10 =	vge.s32 v4, v3  }
0x20d: {  	v5 =	vmpcnt.ones.xlane vm10;
	_ =	sdelay $0x1  }
0x20e: {  	(v2sf) =	vpush v5, $0x0;
	_ =	sdelay $0x2  }
0x20f: {  	v4 =	vld [tilespmem:s26+$0x0];
	p5 =	seq.s32 s25, $0x1  }
.Ltmp75:
0x210: {  	_ = 	snop;
	(pc) =	sbr.rel @p5 .LBB2_114-.Ltmp75, $3  }
0x211: {  	_ =	sdelay $0x1  }
0x212: {  	s28 =	sadd.s32 $0xFFFFFFFF, s25;
	s29 =	simm.s32 $0xC140  }
0x213: {  	p4 =	por $0x1, $0x1;
	s25 =	simm.s32 $0x0;
	s26 =	spop (v2sf);
	vm10 =	vge.s32 v4, v3  }
.LBB2_115:
0x214: {  	v4 =	vld [tilespmem:s29+$0x0];
	p5 =	seq.s32 s28, $0x1;
	s28 =	sadd.s32 $0xFFFFFFFF, s28;
	v5 =	vmpcnt.ones.xlane vm10;
	s25 =	sadd.s32 s25, s26  }
.Ltmp76:
0x215: {  	(pc) =	sbr.rel @!p5 .LBB2_115-.Ltmp76, $2  }
0x216: {  	(v2sf) =	vpush v5, $0x0;
	_ =	sdelay $0x3  }
0x217: {  	s29 =	sadd.s32 $0x10, s29;
	vm10 =	vge.s32 v4, v3;
	s26 =	spop (v2sf)  }
0x218: {  	_ = 	snop  }
.LBB2_117:
0x219: {  	v4 =	vmpcnt.ones.xlane vm10;
	_ =	sdelay $0x1  }
0x21a: {  	(v2sf) =	vpush v4, $0x0;
	_ =	sdelay $0x9  }
0x21b: {  	s25 =	sadd.s32 @p4 s25, s26;
	s26 =	spop @p3 (v2sf);
	s28 =	simm.s32 $0x0  }
0x21c: {  	s26 =	smov.u32 @p3 s26;
	s28 =	smov.u32 @p4 s25  }
0x21d: {  	s25 =	sadd.s32 @p3 s28, s26;
	s28 =	simm.s32 $0x0;
	s26 =	spop @p2 (v2sf)  }
0x21e: {  	s28 =	smov.u32 @p3 s25;
	s26 =	smov.u32 @p2 s26  }
0x21f: {  	s25 =	sadd.s32 @p2 s28, s26  }
0x220: {  	s24 =	smov.u32 @p2 s25;
	s31 =	spop (v2sf)  }
0x221: {  	s24 =	sadd.s32 s24, s31  }
.LBB2_106:
.Ltmp77:
0x222: {  	(pc) =	sbr.rel @p0 .LBB2_127-.Ltmp77, $1  }
0x223: {  	_ =	sdelay $0x3  }
0x224: {  	s25 =	simm.s32 $0xE180  }
0x225: {  	p5 =	sne.s32 s21, $0x1;
	v4 =	vld [tilespmem:s25+$0x0]  }
.Ltmp78:
0x226: {  	_ = 	snop;
	(pc) =	sbr.rel @!p5 .LBB2_108-.Ltmp78, $3  }
0x227: {  	_ =	sdelay $0x1  }
0x228: {  	s23 =	simm.s32 $0x0;
	s26 =	simm.s32 $0xE190;
	p2 =	por $0x0, $0x0  }
0x229: {  	p3 =	por $0x0, $0x0;
	p4 =	por $0x0, $0x0;
	s25 =	sadd.s32 $0xFFFFFFFF, s21;
	vm10 =	vge.s32 v4, v3  }
0x22a: {  	v4 =	vld [tilespmem:s26+$0x0];
	p5 =	sne.s32 s25, $0x1  }
.Ltmp79:
0x22b: {  	_ = 	snop;
	(pc) =	sbr.rel @!p5 .LBB2_119-.Ltmp79, $3  }
0x22c: {  	_ = 	snop  }
0x22d: {  	v5 =	vmpcnt.ones.xlane vm10;
	_ =	sdelay $0x1  }
0x22e: {  	s25 =	sadd.s32 $0xFFFFFFFF, s25;
	s26 =	simm.s32 $0xE1A0;
	p2 =	por $0x1, $0x1;
	(v2sf) =	vpush v5, $0x0;
	vm10 =	vge.s32 v4, v3  }
0x22f: {  	v5 =	vmpcnt.ones.xlane vm10;
	_ =	sdelay $0x1  }
0x230: {  	(v2sf) =	vpush v5, $0x0;
	_ =	sdelay $0x3  }
0x231: {  	v4 =	vld [tilespmem:s26+$0x0];
	p5 =	sne.s32 s25, $0x1  }
.Ltmp80:
0x232: {  	_ = 	snop;
	(pc) =	sbr.rel @!p5 .LBB2_121-.Ltmp80, $2  }
0x233: {  	_ =	sdelay $0x2  }
0x234: {  	s25 =	sadd.s32 $0xFFFFFFFF, s25;
	s26 =	simm.s32 $0xE1B0;
	p3 =	por $0x1, $0x1;
	vm10 =	vge.s32 v4, v3  }
0x235: {  	v5 =	vmpcnt.ones.xlane vm10;
	_ =	sdelay $0x1  }
0x236: {  	(v2sf) =	vpush v5, $0x0;
	_ =	sdelay $0x2  }
0x237: {  	v4 =	vld [tilespmem:s26+$0x0];
	p5 =	sne.s32 s25, $0x1  }
.Ltmp81:
0x238: {  	_ = 	snop;
	(pc) =	sbr.rel @!p5 .LBB2_123-.Ltmp81, $3  }
0x239: {  	_ =	sdelay $0x1  }
0x23a: {  	s28 =	sadd.s32 $0xFFFFFFFF, s25;
	s29 =	simm.s32 $0xE1C0  }
0x23b: {  	p4 =	por $0x1, $0x1;
	s25 =	simm.s32 $0x0;
	s26 =	spop (v2sf);
	vm10 =	vge.s32 v4, v3  }
.LBB2_124:
0x23c: {  	v4 =	vld [tilespmem:s29+$0x0];
	p5 =	sne.s32 s28, $0x1;
	s28 =	sadd.s32 $0xFFFFFFFF, s28;
	v5 =	vmpcnt.ones.xlane vm10;
	s25 =	sadd.s32 s25, s26  }
.Ltmp82:
0x23d: {  	(pc) =	sbr.rel @p5 .LBB2_124-.Ltmp82, $2  }
0x23e: {  	(v2sf) =	vpush v5, $0x0;
	_ =	sdelay $0x3  }
0x23f: {  	s29 =	sadd.s32 $0x10, s29;
	vm10 =	vge.s32 v4, v3;
	s26 =	spop (v2sf)  }
0x240: {  	_ = 	snop  }
.LBB2_126:
0x241: {  	v3 =	vmpcnt.ones.xlane vm10;
	_ =	sdelay $0x1  }
0x242: {  	(v2sf) =	vpush v3, $0x0;
	_ =	sdelay $0x9  }
0x243: {  	s25 =	sadd.s32 @p4 s25, s26;
	s26 =	spop @p3 (v2sf);
	s28 =	simm.s32 $0x0  }
0x244: {  	s26 =	smov.u32 @p3 s26;
	s28 =	smov.u32 @p4 s25  }
0x245: {  	s25 =	sadd.s32 @p3 s28, s26;
	s28 =	simm.s32 $0x0;
	s26 =	spop @p2 (v2sf)  }
0x246: {  	s28 =	smov.u32 @p3 s25;
	s26 =	smov.u32 @p2 s26  }
0x247: {  	s25 =	sadd.s32 @p2 s28, s26  }
0x248: {  	s23 =	smov.u32 @p2 s25;
	s31 =	spop (v2sf)  }
0x249: {  	s23 =	sadd.s32 s23, s31  }
.LBB2_127:
.Ltmp83:
0x24a: {  	(pc) =	sbr.rel @p1 .LBB2_130-.Ltmp83, $3  }
0x24b: {  	_ =	sdelay $0x1  }
0x24c: {  	s26 =	sadd.s32 $0x1, s20  }
0x24d: {  	s25 =	simm.s32 $0x0;
	v3 =	vmov s26;
	s26 =	simm.s32 $0x0  }
0x24e: {  	s28 =	simm.s32 $0xC100  }
0x24f: {  	p4 =	seq.s32 s22, $0x1;
	v4 =	vld [tilespmem:s28+$0x0]  }
.Ltmp84:
0x250: {  	_ = 	snop;
	(pc) =	sbr.rel @p4 .LBB2_129-.Ltmp84, $3  }
0x251: {  	_ =	sdelay $0x1  }
0x252: {  	s26 =	simm.s32 $0x0;
	s22 =	sadd.s32 $0xFFFFFFFF, s22;
	p1 =	por $0x0, $0x0  }
0x253: {  	p2 =	por $0x0, $0x0;
	p3 =	por $0x0, $0x0;
	s28 =	simm.s32 $0xC110;
	vm10 =	vge.s32 v4, v3  }
0x254: {  	v4 =	vld [tilespmem:s28+$0x0];
	p4 =	seq.s32 s22, $0x1  }
.Ltmp85:
0x255: {  	_ = 	snop;
	(pc) =	sbr.rel @p4 .LBB2_134-.Ltmp85, $3  }
0x256: {  	_ = 	snop  }
0x257: {  	v5 =	vmpcnt.ones.xlane vm10;
	_ =	sdelay $0x1  }
0x258: {  	s22 =	sadd.s32 $0xFFFFFFFF, s22;
	s28 =	simm.s32 $0xC120;
	p1 =	por $0x1, $0x1;
	(v2sf) =	vpush v5, $0x0;
	vm10 =	vge.s32 v4, v3  }
0x259: {  	v5 =	vmpcnt.ones.xlane vm10;
	_ =	sdelay $0x1  }
0x25a: {  	(v2sf) =	vpush v5, $0x0;
	_ =	sdelay $0x3  }
0x25b: {  	v4 =	vld [tilespmem:s28+$0x0];
	p4 =	seq.s32 s22, $0x1  }
.Ltmp86:
0x25c: {  	_ = 	snop;
	(pc) =	sbr.rel @p4 .LBB2_136-.Ltmp86, $2  }
0x25d: {  	_ =	sdelay $0x2  }
0x25e: {  	s22 =	sadd.s32 $0xFFFFFFFF, s22;
	s28 =	simm.s32 $0xC130;
	p2 =	por $0x1, $0x1;
	vm10 =	vge.s32 v4, v3  }
0x25f: {  	v5 =	vmpcnt.ones.xlane vm10;
	_ =	sdelay $0x1  }
0x260: {  	(v2sf) =	vpush v5, $0x0;
	_ =	sdelay $0x2  }
0x261: {  	v4 =	vld [tilespmem:s28+$0x0];
	p4 =	seq.s32 s22, $0x1  }
.Ltmp87:
0x262: {  	_ = 	snop;
	(pc) =	sbr.rel @p4 .LBB2_138-.Ltmp87, $3  }
0x263: {  	_ =	sdelay $0x1  }
0x264: {  	s29 =	sadd.s32 $0xFFFFFFFF, s22;
	s30 =	simm.s32 $0xC140  }
0x265: {  	p3 =	por $0x1, $0x1;
	s22 =	simm.s32 $0x0;
	s28 =	spop (v2sf);
	vm10 =	vge.s32 v4, v3  }
.LBB2_139:
0x266: {  	v4 =	vld [tilespmem:s30+$0x0];
	p4 =	seq.s32 s29, $0x1;
	s29 =	sadd.s32 $0xFFFFFFFF, s29;
	v5 =	vmpcnt.ones.xlane vm10;
	s22 =	sadd.s32 s22, s28  }
.Ltmp88:
0x267: {  	(pc) =	sbr.rel @!p4 .LBB2_139-.Ltmp88, $2  }
0x268: {  	(v2sf) =	vpush v5, $0x0;
	_ =	sdelay $0x3  }
0x269: {  	s30 =	sadd.s32 $0x10, s30;
	vm10 =	vge.s32 v4, v3;
	s28 =	spop (v2sf)  }
0x26a: {  	_ = 	snop  }
.LBB2_141:
0x26b: {  	v4 =	vmpcnt.ones.xlane vm10;
	_ =	sdelay $0x1  }
0x26c: {  	(v2sf) =	vpush v4, $0x0;
	_ =	sdelay $0x9  }
0x26d: {  	s22 =	sadd.s32 @p3 s22, s28;
	s28 =	spop @p2 (v2sf);
	s29 =	simm.s32 $0x0  }
0x26e: {  	s28 =	smov.u32 @p2 s28;
	s29 =	smov.u32 @p3 s22  }
0x26f: {  	s22 =	sadd.s32 @p2 s29, s28;
	s29 =	simm.s32 $0x0;
	s28 =	spop @p1 (v2sf)  }
0x270: {  	s29 =	smov.u32 @p2 s22;
	s28 =	smov.u32 @p1 s28  }
0x271: {  	s22 =	sadd.s32 @p1 s29, s28  }
0x272: {  	s26 =	smov.u32 @p1 s22;
	s31 =	spop (v2sf)  }
0x273: {  	s26 =	sadd.s32 s26, s31  }
.LBB2_130:
.Ltmp89:
0x274: {  	(pc) =	sbr.rel @p0 .LBB2_151-.Ltmp89, $1  }
0x275: {  	_ =	sdelay $0x3  }
0x276: {  	s25 =	simm.s32 $0xE180  }
0x277: {  	p3 =	sne.s32 s21, $0x1;
	v4 =	vld [tilespmem:s25+$0x0]  }
.Ltmp90:
0x278: {  	_ = 	snop;
	(pc) =	sbr.rel @!p3 .LBB2_132-.Ltmp90, $3  }
0x279: {  	_ =	sdelay $0x1  }
0x27a: {  	s22 =	simm.s32 $0x0;
	s21 =	sadd.s32 $0xFFFFFFFF, s21;
	p0 =	por $0x0, $0x0  }
0x27b: {  	p1 =	por $0x0, $0x0;
	p2 =	por $0x0, $0x0;
	s25 =	simm.s32 $0xE190;
	vm10 =	vge.s32 v4, v3  }
0x27c: {  	v4 =	vld [tilespmem:s25+$0x0];
	p3 =	sne.s32 s21, $0x1  }
.Ltmp91:
0x27d: {  	v5 =	vmpcnt.ones.xlane vm10;
	(pc) =	sbr.rel @!p3 .LBB2_143-.Ltmp91, $3  }
0x27e: {  	_ = 	snop  }
0x27f: {  	(v2sf) =	vpush v5, $0x0;
	_ =	sdelay $0x1  }
0x280: {  	s21 =	sadd.s32 $0xFFFFFFFF, s21;
	s25 =	simm.s32 $0xE1A0;
	p0 =	por $0x1, $0x1;
	vm10 =	vge.s32 v4, v3  }
0x281: {  	v5 =	vmpcnt.ones.xlane vm10;
	_ =	sdelay $0x1  }
0x282: {  	(v2sf) =	vpush v5, $0x0;
	_ =	sdelay $0x3  }
0x283: {  	v4 =	vld [tilespmem:s25+$0x0];
	p3 =	sne.s32 s21, $0x1  }
.Ltmp92:
0x284: {  	_ = 	snop;
	(pc) =	sbr.rel @!p3 .LBB2_145-.Ltmp92, $2  }
0x285: {  	_ =	sdelay $0x2  }
0x286: {  	s21 =	sadd.s32 $0xFFFFFFFF, s21;
	s25 =	simm.s32 $0xE1B0;
	p1 =	por $0x1, $0x1;
	vm10 =	vge.s32 v4, v3  }
0x287: {  	v5 =	vmpcnt.ones.xlane vm10;
	_ =	sdelay $0x1  }
0x288: {  	(v2sf) =	vpush v5, $0x0;
	_ =	sdelay $0x2  }
0x289: {  	v4 =	vld [tilespmem:s25+$0x0];
	p3 =	sne.s32 s21, $0x1  }
.Ltmp93:
0x28a: {  	_ = 	snop;
	(pc) =	sbr.rel @!p3 .LBB2_147-.Ltmp93, $3  }
0x28b: {  	_ =	sdelay $0x1  }
0x28c: {  	s28 =	sadd.s32 $0xFFFFFFFF, s21;
	s29 =	simm.s32 $0xE1C0  }
0x28d: {  	s25 =	spop (v2sf);
	p2 =	por $0x1, $0x1;
	s21 =	simm.s32 $0x0;
	vm10 =	vge.s32 v4, v3  }
.LBB2_148:
0x28e: {  	v4 =	vld [tilespmem:s29+$0x0];
	p3 =	sne.s32 s28, $0x1;
	s28 =	sadd.s32 $0xFFFFFFFF, s28;
	v5 =	vmpcnt.ones.xlane vm10;
	s21 =	sadd.s32 s21, s25  }
.Ltmp94:
0x28f: {  	(pc) =	sbr.rel @p3 .LBB2_148-.Ltmp94, $2  }
0x290: {  	(v2sf) =	vpush v5, $0x0;
	_ =	sdelay $0x3  }
0x291: {  	s29 =	sadd.s32 $0x10, s29;
	vm10 =	vge.s32 v4, v3;
	s25 =	spop (v2sf)  }
.Ltmp95:
0x292: {  	(pc) =	sbr.rel .LBB2_150-.Ltmp95, $1  }
0x293: {  	_ =	sdelay $0x3  }
.LBB2_9:
.Ltmp96:
0x294: {  	(pc) =	sbr.rel .LBB2_43-.Ltmp96, $2  }
0x295: {  	_ =	sdelay $0x2  }
0x296: {  	s18 =	simm.s32 $0x0  }
.LBB2_34:
.Ltmp97:
0x297: {  	(pc) =	sbr.rel .LBB2_52-.Ltmp97, $2  }
0x298: {  	_ =	sdelay $0x2  }
0x299: {  	s18 =	simm.s32 $0x0  }
.LBB2_55:
.Ltmp98:
0x29a: {  	(pc) =	sbr.rel .LBB2_67-.Ltmp98, $2  }
0x29b: {  	_ =	sdelay $0x2  }
0x29c: {  	s20 =	simm.s32 $0x0  }
.LBB2_58:
.Ltmp99:
0x29d: {  	(pc) =	sbr.rel .LBB2_76-.Ltmp99, $2  }
0x29e: {  	_ =	sdelay $0x2  }
0x29f: {  	s19 =	simm.s32 $0x0  }
.LBB2_83:
.Ltmp100:
0x2a0: {  	(pc) =	sbr.rel .LBB2_117-.Ltmp100, $2  }
0x2a1: {  	_ =	sdelay $0x2  }
0x2a2: {  	s25 =	simm.s32 $0x0  }
.LBB2_108:
.Ltmp101:
0x2a3: {  	(pc) =	sbr.rel .LBB2_126-.Ltmp101, $2  }
0x2a4: {  	_ =	sdelay $0x2  }
0x2a5: {  	s25 =	simm.s32 $0x0  }
.LBB2_129:
.Ltmp102:
0x2a6: {  	(pc) =	sbr.rel .LBB2_141-.Ltmp102, $2  }
0x2a7: {  	_ =	sdelay $0x2  }
0x2a8: {  	s22 =	simm.s32 $0x0  }
.LBB2_36:
.Ltmp103:
0x2a9: {  	(pc) =	sbr.rel .LBB2_43-.Ltmp103, $2  }
0x2aa: {  	_ =	sdelay $0x2  }
0x2ab: {  	s18 =	simm.s32 $0x0  }
.LBB2_45:
.Ltmp104:
0x2ac: {  	(pc) =	sbr.rel .LBB2_52-.Ltmp104, $2  }
0x2ad: {  	_ =	sdelay $0x2  }
0x2ae: {  	s18 =	simm.s32 $0x0  }
.LBB2_60:
.Ltmp105:
0x2af: {  	(pc) =	sbr.rel .LBB2_67-.Ltmp105, $2  }
0x2b0: {  	_ =	sdelay $0x2  }
0x2b1: {  	s20 =	simm.s32 $0x0  }
.LBB2_69:
.Ltmp106:
0x2b2: {  	(pc) =	sbr.rel .LBB2_76-.Ltmp106, $2  }
0x2b3: {  	_ =	sdelay $0x2  }
0x2b4: {  	s19 =	simm.s32 $0x0  }
.LBB2_110:
.Ltmp107:
0x2b5: {  	(pc) =	sbr.rel .LBB2_117-.Ltmp107, $2  }
0x2b6: {  	_ =	sdelay $0x2  }
0x2b7: {  	s25 =	simm.s32 $0x0  }
.LBB2_119:
.Ltmp108:
0x2b8: {  	(pc) =	sbr.rel .LBB2_126-.Ltmp108, $2  }
0x2b9: {  	_ =	sdelay $0x2  }
0x2ba: {  	s25 =	simm.s32 $0x0  }
.LBB2_134:
.Ltmp109:
0x2bb: {  	(pc) =	sbr.rel .LBB2_141-.Ltmp109, $2  }
0x2bc: {  	_ =	sdelay $0x2  }
0x2bd: {  	s22 =	simm.s32 $0x0  }
.LBB2_143:
.Ltmp110:
0x2be: {  	(pc) =	sbr.rel .LBB2_150-.Ltmp110, $2  }
0x2bf: {  	_ =	sdelay $0x2  }
0x2c0: {  	s21 =	simm.s32 $0x0  }
.LBB2_38:
.Ltmp111:
0x2c1: {  	(pc) =	sbr.rel .LBB2_43-.Ltmp111, $2  }
0x2c2: {  	_ =	sdelay $0x2  }
0x2c3: {  	s18 =	simm.s32 $0x0  }
.LBB2_47:
.Ltmp112:
0x2c4: {  	(pc) =	sbr.rel .LBB2_52-.Ltmp112, $2  }
0x2c5: {  	_ =	sdelay $0x2  }
0x2c6: {  	s18 =	simm.s32 $0x0  }
.LBB2_62:
.Ltmp113:
0x2c7: {  	(pc) =	sbr.rel .LBB2_67-.Ltmp113, $2  }
0x2c8: {  	_ =	sdelay $0x2  }
0x2c9: {  	s20 =	simm.s32 $0x0  }
.LBB2_71:
.Ltmp114:
0x2ca: {  	(pc) =	sbr.rel .LBB2_76-.Ltmp114, $2  }
0x2cb: {  	_ =	sdelay $0x2  }
0x2cc: {  	s19 =	simm.s32 $0x0  }
.LBB2_112:
.Ltmp115:
0x2cd: {  	(pc) =	sbr.rel .LBB2_117-.Ltmp115, $2  }
0x2ce: {  	_ =	sdelay $0x2  }
0x2cf: {  	s25 =	simm.s32 $0x0  }
.LBB2_121:
.Ltmp116:
0x2d0: {  	(pc) =	sbr.rel .LBB2_126-.Ltmp116, $2  }
0x2d1: {  	_ =	sdelay $0x2  }
0x2d2: {  	s25 =	simm.s32 $0x0  }
.LBB2_136:
.Ltmp117:
0x2d3: {  	(pc) =	sbr.rel .LBB2_141-.Ltmp117, $2  }
0x2d4: {  	_ =	sdelay $0x2  }
0x2d5: {  	s22 =	simm.s32 $0x0  }
.LBB2_145:
.Ltmp118:
0x2d6: {  	(pc) =	sbr.rel .LBB2_150-.Ltmp118, $2  }
0x2d7: {  	_ =	sdelay $0x2  }
0x2d8: {  	s21 =	simm.s32 $0x0  }
.LBB2_40:
.Ltmp119:
0x2d9: {  	(pc) =	sbr.rel .LBB2_43-.Ltmp119, $2  }
0x2da: {  	_ =	sdelay $0x2  }
0x2db: {  	s18 =	simm.s32 $0x0  }
.LBB2_49:
.Ltmp120:
0x2dc: {  	(pc) =	sbr.rel .LBB2_52-.Ltmp120, $2  }
0x2dd: {  	_ =	sdelay $0x2  }
0x2de: {  	s18 =	simm.s32 $0x0  }
.LBB2_64:
.Ltmp121:
0x2df: {  	(pc) =	sbr.rel .LBB2_67-.Ltmp121, $2  }
0x2e0: {  	_ =	sdelay $0x2  }
0x2e1: {  	s20 =	simm.s32 $0x0  }
.LBB2_73:
.Ltmp122:
0x2e2: {  	(pc) =	sbr.rel .LBB2_76-.Ltmp122, $2  }
0x2e3: {  	_ =	sdelay $0x2  }
0x2e4: {  	s19 =	simm.s32 $0x0  }
.LBB2_114:
.Ltmp123:
0x2e5: {  	(pc) =	sbr.rel .LBB2_117-.Ltmp123, $2  }
0x2e6: {  	_ =	sdelay $0x2  }
0x2e7: {  	s25 =	simm.s32 $0x0  }
.LBB2_123:
.Ltmp124:
0x2e8: {  	(pc) =	sbr.rel .LBB2_126-.Ltmp124, $2  }
0x2e9: {  	_ =	sdelay $0x2  }
0x2ea: {  	s25 =	simm.s32 $0x0  }
.LBB2_138:
.Ltmp125:
0x2eb: {  	(pc) =	sbr.rel .LBB2_141-.Ltmp125, $2  }
0x2ec: {  	_ =	sdelay $0x2  }
0x2ed: {  	s22 =	simm.s32 $0x0  }
.LBB2_147:
.Ltmp126:
0x2ee: {  	(pc) =	sbr.rel .LBB2_150-.Ltmp126, $2  }
0x2ef: {  	_ =	sdelay $0x2  }
0x2f0: {  	s21 =	simm.s32 $0x0  }
.LBB2_152:
0x2f1: {  	_ =	sfence.sel $0x180000  }
0x2f2: {  	[bflag:$0x0] =	sbarrier.arrive $0xFFFF  }
0x2f3: {  	p0 =	sne.s32 s1, $0x0;
	_ =	strace $0x90000047  }
0x2f4: {  	s0 =	sadd.s32 @!p0 $0x100000, s0;
	[bflag:$0x2] =	sbarrier.arrive $0xFFFF  }
0x2f5: {  	[sflag:s0] =	ssyncadd.tile.s32 @!p0 $0x1;
	_ =	shalt  }
.Lfunc_end2:
_tile_overlayer_lowered:
.L_overlay_start_2:
0x2f6: {  	(tag) =	ssettag $0x2  }
0x2f7: {  	s0 =	rddreg [dreg:$0x0];
	s2 =	stileid.u32  }
0x2f8: {  	s1 =	rddreg [dreg:$0x1];
	p0 =	sne.s32 s2, $0x0  }
0x2f9: {  	s3 =	rddreg [dreg:$0x2];
	[bflag:$0x3] =	sbarrier.arrive $0xFFFF;
	s2 =	simm.s32 @!p0 $0x1C01  }
0x2fa: {  	[timem:s3], [sflag:s2] =	dma.local @!p0 [hbm:s0], s1  }
0x2fb: {  	s0 =	simm.s32 @!p0 $0x1  }
0x2fc: {  	_ =	swait.ge @!p0 [sflag:s0], s1  }
0x2fd: {  	s1 =	ssub.s32 @!p0 $0x0, s1;
	[sflag:s0] =	ssyncset.done @!p0 $0x0  }
0x2fe: {  	[sflag:s0] =	ssyncadd.s32 @!p0 s1  }
0x2ff: {  	[bflag:$0x3] =	sbarrier.arrive $0xFFFF  }
0x300: {  	_ =	shalt  }

</sc_bundles>
